<compile_context>
chip_gen: v7x
topology: tpu7x:2x2x1
jax: 0.10.2.dev20260603
libtpu: 0.0.44.dev20260713+nightly
codegen_flags: <defaults>
</compile_context>

<pallas_src>
import jax
import jax.numpy as jnp
from jax import lax
from jax.experimental import pallas as pl
from jax.experimental.pallas import tpu as pltpu
from jax.experimental.pallas import tpu_sc as plsc

NUM_CLASSES = 1000
D = 768
N = 16384
EPS = 1e-5

NC = 2
NS = 16
L = 16
NW = NC * NS
CPW = 32
ACC_ROWS = NW * CPW
DP = D + 128
CHUNK = 64
DL = D // L
LOG2N = 14


def _sc_body(embs_hbm, ids_hbm, gam_hbm, bet_hbm, out_hbm,
             ids_full, in_buf, idx_v, gam_v, bet_v, acc):
    c = lax.axis_index("c")
    s = lax.axis_index("s")
    wid = c * NS + s
    base = wid * CPW

    pltpu.sync_copy(gam_hbm, gam_v)
    pltpu.sync_copy(bet_hbm, bet_v)
    pltpu.sync_copy(ids_hbm, ids_full)

    zero = jnp.zeros((L,), jnp.float32)

    def _zr(r, _):
        def _zc(j, _):
            acc[r, pl.ds(j * L, L)] = zero
            return 0
        lax.fori_loop(0, DP // L, _zc, 0)
        return 0
    lax.fori_loop(0, CPW, _zr, 0)

    def _sload(ref, i):
        return jnp.max(plsc.load_gather(ref, [jnp.full((L,), i, jnp.int32)]))

    def _lower_bound(target):
        def step(_, lohi):
            lo, hi = lohi
            mid = (lo + hi) // 2
            pred = _sload(ids_full, mid) < target
            return jnp.where(pred, mid + 1, lo), jnp.where(pred, hi, mid)
        lo, _ = lax.fori_loop(0, LOG2N, step, (jnp.int32(0), jnp.int32(N)))
        return lo

    row_start = _lower_bound(base)
    row_end = _lower_bound(base + CPW)
    ck_lo = row_start // CHUNK
    ck_hi = (row_end + CHUNK - 1) // CHUNK

    cnt_vec = (lax.iota(jnp.int32, L) == 0).astype(jnp.float32)
    inv_d = jnp.float32(1.0 / D)

    def chunk_body(ck, _):
        g0 = ck * CHUNK
        pltpu.sync_copy(ids_hbm.at[pl.ds(g0, CHUNK)], idx_v)
        pltpu.sync_copy(embs_hbm.at[pl.ds(g0, CHUNK)], in_buf)
        r_hi = jnp.minimum(row_end - g0, CHUNK)
        r_lo = jnp.minimum(jnp.maximum(row_start - g0, 0), r_hi)

        def row_body(r, _):
            lid = _sload(idx_v, r) - base

            def p1(j, carry):
                sv, s2 = carry
                v = in_buf[r, pl.ds(j * L, L)]
                return sv + v, s2 + v * v
            sv, s2 = lax.fori_loop(0, DL, p1, (zero, zero))
            mean = jnp.sum(sv) * inv_d
            var = jnp.sum(s2) * inv_d - mean * mean
            vv = jnp.full((L,), var + EPS, dtype=jnp.float32)
            yi = lax.bitcast_convert_type(vv, jnp.int32)
            yi = 0x5F3759DF - (yi >> 1)
            y = lax.bitcast_convert_type(yi, jnp.float32)
            half = vv * 0.5
            for _i in range(4):
                y = y * (1.5 - half * y * y)
            meanv = jnp.full((L,), mean, dtype=jnp.float32)

            def p2(j, _):
                v = in_buf[r, pl.ds(j * L, L)]
                g = gam_v[pl.ds(j * L, L)]
                b = bet_v[pl.ds(j * L, L)]
                xn = (v - meanv) * y * g + b
                acc[lid, pl.ds(j * L, L)] = acc[lid, pl.ds(j * L, L)] + xn
                return 0
            lax.fori_loop(0, DL, p2, 0)
            acc[lid, pl.ds(D, L)] = acc[lid, pl.ds(D, L)] + cnt_vec
            return 0
        lax.fori_loop(r_lo, r_hi, row_body, 0)
        return 0
    lax.fori_loop(jnp.minimum(ck_lo, ck_hi), ck_hi, chunk_body, 0)

    pltpu.sync_copy(acc, out_hbm.at[pl.ds(base, CPW)])


def _sc_segment_ln(embs, ids, ln_gamma, ln_beta):
    mesh = plsc.VectorSubcoreMesh(core_axis_name="c", subcore_axis_name="s",
                                  num_cores=NC, num_subcores=NS)
    return pl.kernel(
        _sc_body,
        out_type=jax.ShapeDtypeStruct((ACC_ROWS, DP), jnp.float32),
        mesh=mesh,
        compiler_params=pltpu.CompilerParams(needs_layout_passes=False),
        scratch_types=[
            pltpu.VMEM((N,), jnp.int32),
            pltpu.VMEM((CHUNK, D), jnp.float32),
            pltpu.VMEM((CHUNK,), jnp.int32),
            pltpu.VMEM((D,), jnp.float32),
            pltpu.VMEM((D,), jnp.float32),
            pltpu.VMEM((CPW, DP), jnp.float32),
        ],
    )(embs, ids, ln_gamma, ln_beta)


def _combine_body(part_ref, pers_ref, out_ref):
    p = part_ref[:NUM_CLASSES, :]
    counts = jnp.sum(p[:, D:], axis=-1, keepdims=True)
    out_ref[...] = p[:, :D] / jnp.maximum(counts, 1.0) + pers_ref[...]


def _combine(part, personal_table):
    return pl.pallas_call(
        _combine_body,
        out_shape=jax.ShapeDtypeStruct((NUM_CLASSES, D), jnp.float32),
    )(part, personal_table)


def kernel(embs, class_ids, personal_table, ln_gamma, ln_beta):
    ids = class_ids.astype(jnp.int32)
    part = _sc_segment_ln(embs, ids, ln_gamma, ln_beta)
    return _combine(part, personal_table)

# --- scband reference (transcript-rebuilt; emitter-appended) ---
"""Pipeline reference for scband-client-prototype-generator-33079838114658 (READ-ONLY COPY).

The authoritative reference and input builder live on the scoring server;
editing this copy changes nothing except your own understanding.
"""

import jax, jax.numpy as jnp
import numpy as np

NUM_CLASSES = 1000
EMBED_DIM = 768
N = 16384
EPS = 1e-5

def setup_inputs(seed: int = 0) -> dict:
    key = jax.random.key(seed)
    k1, k2 = jax.random.split(key)
    embs = jax.random.normal(k1, (N, EMBED_DIM), dtype=jnp.float32)
    class_ids = jnp.sort(jax.random.randint(k2, (N,), 0, NUM_CLASSES, dtype=jnp.int64))
    personal_table = jnp.zeros((NUM_CLASSES, EMBED_DIM), dtype=jnp.float32)
    ln_gamma = jnp.ones((EMBED_DIM,), dtype=jnp.float32)
    ln_beta = jnp.zeros((EMBED_DIM,), dtype=jnp.float32)
    return {"embs": embs, "class_ids": class_ids, "personal_table": personal_table, "ln_gamma": ln_gamma, "ln_beta": ln_beta}

def reference(embs, class_ids, personal_table, ln_gamma, ln_beta):
    # LayerNorm over embed dim (dropout is identity in eval mode)
    mean = jnp.mean(embs, axis=-1, keepdims=True)
    var = jnp.mean((embs - mean) ** 2, axis=-1, keepdims=True)
    x = (embs - mean) * jax.lax.rsqrt(var + EPS) * ln_gamma + ln_beta
    # per-class shared = mean of embeddings belonging to that class (segment mean)
    sums = jax.ops.segment_sum(x, class_ids, num_segments=NUM_CLASSES)
    counts = jax.ops.segment_sum(jnp.ones((x.shape[0],), dtype=jnp.float32), class_ids, num_segments=NUM_CLASSES)
    shared = sums / jnp.maximum(counts, 1.0)[:, None]
    # full prototype = shared + personal (gather of the whole table, one row per class)
    full = shared + personal_table
    return full

if __name__ == "__main__":
    import jax
    _d = setup_inputs()
    print(jax.jit(kernel)(*tuple(_d.values())))

</pallas_src>

<mosaic_0001>
#map = affine_map<(d0, d1) -> (0, 0)>
#map1 = affine_map<(d0, d1) -> (0)>
module attributes {stable_mosaic.version = 14 : i64} {
  func.func @_sc_body(%arg0: i32, %arg1: i32, %arg2: memref<16384x768xf32, #tpu.memory_space<hbm>>, %arg3: memref<16384xi32, #tpu.memory_space<hbm>>, %arg4: memref<768xf32, #tpu.memory_space<hbm>>, %arg5: memref<768xf32, #tpu.memory_space<hbm>>, %arg6: memref<1024x896xf32, #tpu.memory_space<hbm>>, %arg7: memref<16384xi32, #tpu.memory_space<vmem>>, %arg8: memref<64x768xf32, #tpu.memory_space<vmem>>, %arg9: memref<64xi32, #tpu.memory_space<vmem>>, %arg10: memref<768xf32, #tpu.memory_space<vmem>>, %arg11: memref<768xf32, #tpu.memory_space<vmem>>, %arg12: memref<32x896xf32, #tpu.memory_space<vmem>>) attributes {dimension_semantics = [#tpu.dimension_semantics<core_parallel>, #tpu.dimension_semantics<subcore_parallel>], iteration_bounds = array<i64: 2, 16>, scalar_prefetch = 0 : i64, scratch_operands = 6 : i64, tpu.core_type = #tpu.core_type<sc_vector_subcore>, window_params = [{transform_indices = #map}, {transform_indices = #map1}, {transform_indices = #map1}, {transform_indices = #map1}, {transform_indices = #map}]} {
    %mul3A = arith.constant 16 : i32
    %mul3A_0 = arith.muli %arg0, %mul3A : i32
    %add3A = arith.addi %mul3A_0, %arg1 : i32
    %mul3A_1 = arith.constant 32 : i32
    %mul3A_2 = arith.muli %add3A, %mul3A_1 : i32
    "tpu.region"() ({
      %run_scoped3A = tpu.sem_alloc : memref<!tpu.dma_semaphore, #tpu.memory_space<semaphore_mem>>
      tpu.enqueue_dma source(%arg4 : memref<768xf32, #tpu.memory_space<hbm>>) target(%arg10 : memref<768xf32, #tpu.memory_space<vmem>>) target_semaphore(%run_scoped3A : memref<!tpu.dma_semaphore, #tpu.memory_space<semaphore_mem>>)
      tpu.wait_dma2 semaphore(%run_scoped3A : memref<!tpu.dma_semaphore, #tpu.memory_space<semaphore_mem>>) src(%arg4 : memref<768xf32, #tpu.memory_space<hbm>>) dst(%arg10 : memref<768xf32, #tpu.memory_space<vmem>>)
      tpu.yield
    }) : () -> ()
    "tpu.region"() ({
      %run_scoped3A = tpu.sem_alloc : memref<!tpu.dma_semaphore, #tpu.memory_space<semaphore_mem>>
      tpu.enqueue_dma source(%arg5 : memref<768xf32, #tpu.memory_space<hbm>>) target(%arg11 : memref<768xf32, #tpu.memory_space<vmem>>) target_semaphore(%run_scoped3A : memref<!tpu.dma_semaphore, #tpu.memory_space<semaphore_mem>>)
      tpu.wait_dma2 semaphore(%run_scoped3A : memref<!tpu.dma_semaphore, #tpu.memory_space<semaphore_mem>>) src(%arg5 : memref<768xf32, #tpu.memory_space<hbm>>) dst(%arg11 : memref<768xf32, #tpu.memory_space<vmem>>)
      tpu.yield
    }) : () -> ()
    "tpu.region"() ({
      %run_scoped3A = tpu.sem_alloc : memref<!tpu.dma_semaphore, #tpu.memory_space<semaphore_mem>>
      tpu.enqueue_dma source(%arg3 : memref<16384xi32, #tpu.memory_space<hbm>>) target(%arg7 : memref<16384xi32, #tpu.memory_space<vmem>>) target_semaphore(%run_scoped3A : memref<!tpu.dma_semaphore, #tpu.memory_space<semaphore_mem>>)
      tpu.wait_dma2 semaphore(%run_scoped3A : memref<!tpu.dma_semaphore, #tpu.memory_space<semaphore_mem>>) src(%arg3 : memref<16384xi32, #tpu.memory_space<hbm>>) dst(%arg7 : memref<16384xi32, #tpu.memory_space<vmem>>)
      tpu.yield
    }) : () -> ()
    %broadcast_in_dim3A = arith.constant 0.000000e+00 : f32
    %broadcast_in_dim3A_3 = vector.broadcast %broadcast_in_dim3A : f32 to vector<16xf32>
    %scan3A = arith.constant 0 : i32
    %scan3A_4 = arith.constant 0 : i32
    %scan3A_5 = arith.constant 32 : i32
    %scan3A_6 = arith.addi %scan3A_4, %scan3A_5 : i32
    %scan3A_7 = arith.constant 1 : i32
    %scan3A_8 = scf.for %scan3A_86 = %scan3A_4 to %scan3A_6 step %scan3A_7 iter_args(%scan3A_87 = %scan3A) -> (i32)  : i32 {
      %scan3A_88 = arith.constant 0 : i32
      %scan3A_89 = arith.constant 0 : i32
      %scan3A_90 = arith.constant 56 : i32
      %scan3A_91 = arith.addi %scan3A_89, %scan3A_90 : i32
      %scan3A_92 = arith.constant 1 : i32
      %scan3A_93 = scf.for %scan3A_96 = %scan3A_89 to %scan3A_91 step %scan3A_92 iter_args(%scan3A_97 = %scan3A_88) -> (i32)  : i32 {
        %mul3A_98 = arith.constant 16 : i32
        %mul3A_99 = arith.muli %scan3A_96, %mul3A_98 : i32
        %swap3A = arith.index_cast %scan3A_86 : i32 to index
        %swap3A_100 = arith.index_cast %mul3A_99 : i32 to index
        %swap3A_101 = tpu.vector_load %arg12[%swap3A, %swap3A_100] {strides = array<i32>} : memref<32x896xf32, #tpu.memory_space<vmem>>, vector<16xf32>,
        tpu.vector_store %arg12[%swap3A, %swap3A_100], %broadcast_in_dim3A_3 {strides = array<i32>} : memref<32x896xf32, #tpu.memory_space<vmem>>, vector<16xf32>,
        %scan3A_102 = arith.constant 0 : i32
        scf.yield %scan3A_102 : i32
      }
      %scan3A_94 = arith.constant 56 : i32
      %scan3A_95 = arith.constant 0 : i32
      scf.yield %scan3A_95 : i32
    }
    %scan3A_9 = arith.constant 32 : i32
    %scan3A_10 = arith.constant 0 : i32
    %scan3A_11 = arith.constant 16384 : i32
    %scan3A_12 = arith.constant 0 : i32
    %scan3A_13 = arith.constant 14 : i32
    %scan3A_14 = arith.addi %scan3A_12, %scan3A_13 : i32
    %scan3A_15 = arith.constant 1 : i32
    %scan3A_16:2 = scf.for %scan3A_86 = %scan3A_12 to %scan3A_14 step %scan3A_15 iter_args(%scan3A_87 = %scan3A_10, %scan3A_88 = %scan3A_11) -> (i32, i32)  : i32 {
      %add3A_89 = arith.addi %scan3A_87, %scan3A_88 : i32
      %jit3A_90 = arith.constant 2 : i32
      %div3A_91 = arith.divsi %add3A_89, %jit3A_90 : i32
      %sign3A_92 = arith.constant 0 : i32
      %sign3A_93 = arith.cmpi sgt, %add3A_89, %sign3A_92 : i32
      %sign3A_94 = arith.extui %sign3A_93 : i1 to i32
      %sign3A_95 = arith.constant 0 : i32
      %sign3A_96 = arith.cmpi slt, %add3A_89, %sign3A_95 : i32
      %sign3A_97 = arith.extui %sign3A_96 : i1 to i32
      %sign3A_98 = arith.subi %sign3A_94, %sign3A_97 : i32
      %sign3A_99 = arith.constant 0 : i32
      %sign3A_100 = arith.cmpi sgt, %jit3A_90, %sign3A_99 : i32
      %sign3A_101 = arith.extui %sign3A_100 : i1 to i32
      %sign3A_102 = arith.constant 0 : i32
      %sign3A_103 = arith.cmpi slt, %jit3A_90, %sign3A_102 : i32
      %sign3A_104 = arith.extui %sign3A_103 : i1 to i32
      %sign3A_105 = arith.subi %sign3A_101, %sign3A_104 : i32
      %ne3A_106 = arith.cmpi ne, %sign3A_98, %sign3A_105 : i32
      %rem3A_107 = arith.remsi %add3A_89, %jit3A_90 : i32
      %ne3A_108 = arith.constant 0 : i32
      %ne3A_109 = arith.cmpi ne, %rem3A_107, %ne3A_108 : i32
      %and3A_110 = arith.andi %ne3A_106, %ne3A_109 : i1
      %sub3A_111 = arith.constant 1 : i32
      %sub3A_112 = arith.subi %div3A_91, %sub3A_111 : i32
      %select_n3A_113 = arith.select %and3A_110, %sub3A_112, %div3A_91 : i32
      %broadcast_in_dim3A_114 = vector.broadcast %select_n3A_113 : i32 to vector<16xi32>
      %gather3A = tpu.vector_load_idx %arg7[%broadcast_in_dim3A_114] : memref<16384xi32, #tpu.memory_space<vmem>>[vector<16xi32>], vector<16xi32>,
      %reduce_max3A = arith.constant true
      %reduce_max3A_115 = vector.broadcast %reduce_max3A : i1 to vector<16xi1>
      %reduce_max3A_116 = arith.constant -2147483648 : i32
      %reduce_max3A_117 = vector.broadcast %reduce_max3A_116 : i32 to vector<16xi32>
      %reduce_max3A_118 = arith.xori %gather3A, %reduce_max3A_117 : vector<16xi32>
      %reduce_max3A_119 = tpu.scan <max>, %reduce_max3A_118 masked %reduce_max3A_115 : vector<16xi32>, vector<16xi1> -> vector<16xi32>
      %reduce_max3A_120 = arith.xori %reduce_max3A_119, %reduce_max3A_117 : vector<16xi32>
      %reduce_max3A_121 = vector.extract %reduce_max3A_120[15] : i32 from vector<16xi32>
      %lt3A = arith.cmpi slt, %reduce_max3A_121, %mul3A_2 : i32
      %add3A_122 = arith.constant 1 : i32
      %add3A_123 = arith.addi %select_n3A_113, %add3A_122 : i32
      %select_n3A_124 = arith.select %lt3A, %add3A_123, %scan3A_87 : i32
      %select_n3A_125 = arith.select %lt3A, %scan3A_88, %select_n3A_113 : i32
      scf.yield %select_n3A_124, %select_n3A_125 : i32, i32
    }
    %scan3A_17 = arith.constant 14 : i32
    %add3A_18 = arith.constant 32 : i32
    %add3A_19 = arith.addi %mul3A_2, %add3A_18 : i32
    %scan3A_20 = arith.constant 0 : i32
    %scan3A_21 = arith.constant 16384 : i32
    %scan3A_22 = arith.constant 0 : i32
    %scan3A_23 = arith.constant 14 : i32
    %scan3A_24 = arith.addi %scan3A_22, %scan3A_23 : i32
    %scan3A_25 = arith.constant 1 : i32
    %scan3A_26:2 = scf.for %scan3A_86 = %scan3A_22 to %scan3A_24 step %scan3A_25 iter_args(%scan3A_87 = %scan3A_20, %scan3A_88 = %scan3A_21) -> (i32, i32)  : i32 {
      %add3A_89 = arith.addi %scan3A_87, %scan3A_88 : i32
      %jit3A_90 = arith.constant 2 : i32
      %div3A_91 = arith.divsi %add3A_89, %jit3A_90 : i32
      %sign3A_92 = arith.constant 0 : i32
      %sign3A_93 = arith.cmpi sgt, %add3A_89, %sign3A_92 : i32
      %sign3A_94 = arith.extui %sign3A_93 : i1 to i32
      %sign3A_95 = arith.constant 0 : i32
      %sign3A_96 = arith.cmpi slt, %add3A_89, %sign3A_95 : i32
      %sign3A_97 = arith.extui %sign3A_96 : i1 to i32
      %sign3A_98 = arith.subi %sign3A_94, %sign3A_97 : i32
      %sign3A_99 = arith.constant 0 : i32
      %sign3A_100 = arith.cmpi sgt, %jit3A_90, %sign3A_99 : i32
      %sign3A_101 = arith.extui %sign3A_100 : i1 to i32
      %sign3A_102 = arith.constant 0 : i32
      %sign3A_103 = arith.cmpi slt, %jit3A_90, %sign3A_102 : i32
      %sign3A_104 = arith.extui %sign3A_103 : i1 to i32
      %sign3A_105 = arith.subi %sign3A_101, %sign3A_104 : i32
      %ne3A_106 = arith.cmpi ne, %sign3A_98, %sign3A_105 : i32
      %rem3A_107 = arith.remsi %add3A_89, %jit3A_90 : i32
      %ne3A_108 = arith.constant 0 : i32
      %ne3A_109 = arith.cmpi ne, %rem3A_107, %ne3A_108 : i32
      %and3A_110 = arith.andi %ne3A_106, %ne3A_109 : i1
      %sub3A_111 = arith.constant 1 : i32
      %sub3A_112 = arith.subi %div3A_91, %sub3A_111 : i32
      %select_n3A_113 = arith.select %and3A_110, %sub3A_112, %div3A_91 : i32
      %broadcast_in_dim3A_114 = vector.broadcast %select_n3A_113 : i32 to vector<16xi32>
      %gather3A = tpu.vector_load_idx %arg7[%broadcast_in_dim3A_114] : memref<16384xi32, #tpu.memory_space<vmem>>[vector<16xi32>], vector<16xi32>,
      %reduce_max3A = arith.constant true
      %reduce_max3A_115 = vector.broadcast %reduce_max3A : i1 to vector<16xi1>
      %reduce_max3A_116 = arith.constant -2147483648 : i32
      %reduce_max3A_117 = vector.broadcast %reduce_max3A_116 : i32 to vector<16xi32>
      %reduce_max3A_118 = arith.xori %gather3A, %reduce_max3A_117 : vector<16xi32>
      %reduce_max3A_119 = tpu.scan <max>, %reduce_max3A_118 masked %reduce_max3A_115 : vector<16xi32>, vector<16xi1> -> vector<16xi32>
      %reduce_max3A_120 = arith.xori %reduce_max3A_119, %reduce_max3A_117 : vector<16xi32>
      %reduce_max3A_121 = vector.extract %reduce_max3A_120[15] : i32 from vector<16xi32>
      %lt3A = arith.cmpi slt, %reduce_max3A_121, %add3A_19 : i32
      %add3A_122 = arith.constant 1 : i32
      %add3A_123 = arith.addi %select_n3A_113, %add3A_122 : i32
      %select_n3A_124 = arith.select %lt3A, %add3A_123, %scan3A_87 : i32
      %select_n3A_125 = arith.select %lt3A, %scan3A_88, %select_n3A_113 : i32
      scf.yield %select_n3A_124, %select_n3A_125 : i32, i32
    }
    %scan3A_27 = arith.constant 14 : i32
    %jit3A = arith.constant 64 : i32
    %div3A = arith.divsi %scan3A_16#0, %jit3A : i32
    %sign3A = arith.constant 0 : i32
    %sign3A_28 = arith.cmpi sgt, %scan3A_16#0, %sign3A : i32
    %sign3A_29 = arith.extui %sign3A_28 : i1 to i32
    %sign3A_30 = arith.constant 0 : i32
    %sign3A_31 = arith.cmpi slt, %scan3A_16#0, %sign3A_30 : i32
    %sign3A_32 = arith.extui %sign3A_31 : i1 to i32
    %sign3A_33 = arith.subi %sign3A_29, %sign3A_32 : i32
    %sign3A_34 = arith.constant 0 : i32
    %sign3A_35 = arith.cmpi sgt, %jit3A, %sign3A_34 : i32
    %sign3A_36 = arith.extui %sign3A_35 : i1 to i32
    %sign3A_37 = arith.constant 0 : i32
    %sign3A_38 = arith.cmpi slt, %jit3A, %sign3A_37 : i32
    %sign3A_39 = arith.extui %sign3A_38 : i1 to i32
    %sign3A_40 = arith.subi %sign3A_36, %sign3A_39 : i32
    %ne3A = arith.cmpi ne, %sign3A_33, %sign3A_40 : i32
    %rem3A = arith.remsi %scan3A_16#0, %jit3A : i32
    %ne3A_41 = arith.constant 0 : i32
    %ne3A_42 = arith.cmpi ne, %rem3A, %ne3A_41 : i32
    %and3A = arith.andi %ne3A, %ne3A_42 : i1
    %sub3A = arith.constant 1 : i32
    %sub3A_43 = arith.subi %div3A, %sub3A : i32
    %select_n3A = arith.select %and3A, %sub3A_43, %div3A : i32
    %add3A_44 = arith.constant 64 : i32
    %add3A_45 = arith.addi %scan3A_26#0, %add3A_44 : i32
    %sub3A_46 = arith.constant 1 : i32
    %sub3A_47 = arith.subi %add3A_45, %sub3A_46 : i32
    %jit3A_48 = arith.constant 64 : i32
    %div3A_49 = arith.divsi %sub3A_47, %jit3A_48 : i32
    %sign3A_50 = arith.constant 0 : i32
    %sign3A_51 = arith.cmpi sgt, %sub3A_47, %sign3A_50 : i32
    %sign3A_52 = arith.extui %sign3A_51 : i1 to i32
    %sign3A_53 = arith.constant 0 : i32
    %sign3A_54 = arith.cmpi slt, %sub3A_47, %sign3A_53 : i32
    %sign3A_55 = arith.extui %sign3A_54 : i1 to i32
    %sign3A_56 = arith.subi %sign3A_52, %sign3A_55 : i32
    %sign3A_57 = arith.constant 0 : i32
    %sign3A_58 = arith.cmpi sgt, %jit3A_48, %sign3A_57 : i32
    %sign3A_59 = arith.extui %sign3A_58 : i1 to i32
    %sign3A_60 = arith.constant 0 : i32
    %sign3A_61 = arith.cmpi slt, %jit3A_48, %sign3A_60 : i32
    %sign3A_62 = arith.extui %sign3A_61 : i1 to i32
    %sign3A_63 = arith.subi %sign3A_59, %sign3A_62 : i32
    %ne3A_64 = arith.cmpi ne, %sign3A_56, %sign3A_63 : i32
    %rem3A_65 = arith.remsi %sub3A_47, %jit3A_48 : i32
    %ne3A_66 = arith.constant 0 : i32
    %ne3A_67 = arith.cmpi ne, %rem3A_65, %ne3A_66 : i32
    %and3A_68 = arith.andi %ne3A_64, %ne3A_67 : i1
    %sub3A_69 = arith.constant 1 : i32
    %sub3A_70 = arith.subi %div3A_49, %sub3A_69 : i32
    %select_n3A_71 = arith.select %and3A_68, %sub3A_70, %div3A_49 : i32
    %iota3A = tpu.iota {dimensions = array<i32: 0>} : vector<16xi32>
    %eq3A = arith.constant 0 : i32
    %eq3A_72 = vector.broadcast %eq3A : i32 to vector<16xi32>
    %eq3A_73 = arith.cmpi eq, %iota3A, %eq3A_72 : vector<16xi32>
    %convert_element_type3A = arith.extui %eq3A_73 : vector<16xi1> to vector<16xi32>
    %convert_element_type3A_74 = arith.sitofp %convert_element_type3A : vector<16xi32> to vector<16xf32>
    %min3A = arith.minsi %select_n3A, %select_n3A_71 : i32
    %while3A = arith.constant 0.00130208337 : f32
    %while3A_75 = arith.constant 0 : i32
    %while3A_76 = arith.subi %select_n3A_71, %min3A : i32
    %while3A_77 = arith.addi %min3A, %while3A_76 : i32
    %while3A_78 = arith.constant 1 : i32
    %while3A_79 = arith.divsi %while3A_76, %while3A_78 : i32
    %while3A_80 = arith.muli %while3A_79, %while3A_78 : i32
    %while3A_81 = arith.addi %min3A, %while3A_80 : i32
    %while3A_82 = arith.constant 1 : i32
    %while3A_83 = scf.for %while3A_86 = %min3A to %while3A_81 step %while3A_82 iter_args(%while3A_87 = %while3A_75) -> (i32)  : i32 {
      %mul3A_88 = arith.constant 64 : i32
      %mul3A_89 = arith.muli %while3A_86, %mul3A_88 : i32
      "tpu.region"() ({
        %run_scoped3A = tpu.sem_alloc : memref<!tpu.dma_semaphore, #tpu.memory_space<semaphore_mem>>
        %dma_start3A = tpu.memref_slice %arg3[%mul3A_89] : memref<16384xi32, #tpu.memory_space<hbm>> -> memref<64xi32, #tpu.memory_space<hbm>>
        %dma_start3A_108 = tpu.memref_slice %arg3[%mul3A_89] : memref<16384xi32, #tpu.memory_space<hbm>> -> memref<64xi32, #tpu.memory_space<hbm>>
        tpu.enqueue_dma source(%dma_start3A_108 : memref<64xi32, #tpu.memory_space<hbm>>) target(%arg9 : memref<64xi32, #tpu.memory_space<vmem>>) target_semaphore(%run_scoped3A : memref<!tpu.dma_semaphore, #tpu.memory_space<semaphore_mem>>)
        %dma_wait3A = tpu.memref_slice %arg3[%mul3A_89] : memref<16384xi32, #tpu.memory_space<hbm>> -> memref<64xi32, #tpu.memory_space<hbm>>
        %dma_wait3A_109 = tpu.memref_slice %arg3[%mul3A_89] : memref<16384xi32, #tpu.memory_space<hbm>> -> memref<64xi32, #tpu.memory_space<hbm>>
        tpu.wait_dma2 semaphore(%run_scoped3A : memref<!tpu.dma_semaphore, #tpu.memory_space<semaphore_mem>>) src(%dma_wait3A_109 : memref<64xi32, #tpu.memory_space<hbm>>) dst(%arg9 : memref<64xi32, #tpu.memory_space<vmem>>)
        tpu.yield
      }) : () -> ()
      "tpu.region"() ({
        %run_scoped3A = tpu.sem_alloc : memref<!tpu.dma_semaphore, #tpu.memory_space<semaphore_mem>>
        %dma_start3A = arith.constant 0 : i32
        %dma_start3A_108 = tpu.memref_slice %arg2[%mul3A_89, %dma_start3A] : memref<16384x768xf32, #tpu.memory_space<hbm>> -> memref<64x768xf32, #tpu.memory_space<hbm>>
        %dma_start3A_109 = arith.constant 0 : i32
        %dma_start3A_110 = tpu.memref_slice %arg2[%mul3A_89, %dma_start3A_109] : memref<16384x768xf32, #tpu.memory_space<hbm>> -> memref<64x768xf32, #tpu.memory_space<hbm>>
        tpu.enqueue_dma source(%dma_start3A_110 : memref<64x768xf32, #tpu.memory_space<hbm>>) target(%arg8 : memref<64x768xf32, #tpu.memory_space<vmem>>) target_semaphore(%run_scoped3A : memref<!tpu.dma_semaphore, #tpu.memory_space<semaphore_mem>>)
        %dma_wait3A = arith.constant 0 : i32
        %dma_wait3A_111 = tpu.memref_slice %arg2[%mul3A_89, %dma_wait3A] : memref<16384x768xf32, #tpu.memory_space<hbm>> -> memref<64x768xf32, #tpu.memory_space<hbm>>
        %dma_wait3A_112 = arith.constant 0 : i32
        %dma_wait3A_113 = tpu.memref_slice %arg2[%mul3A_89, %dma_wait3A_112] : memref<16384x768xf32, #tpu.memory_space<hbm>> -> memref<64x768xf32, #tpu.memory_space<hbm>>
        tpu.wait_dma2 semaphore(%run_scoped3A : memref<!tpu.dma_semaphore, #tpu.memory_space<semaphore_mem>>) src(%dma_wait3A_113 : memref<64x768xf32, #tpu.memory_space<hbm>>) dst(%arg8 : memref<64x768xf32, #tpu.memory_space<vmem>>)
        tpu.yield
      }) : () -> ()
      %sub3A_90 = arith.subi %scan3A_26#0, %mul3A_89 : i32
      %min3A_91 = arith.constant 64 : i32
      %min3A_92 = arith.minsi %sub3A_90, %min3A_91 : i32
      %sub3A_93 = arith.subi %scan3A_16#0, %mul3A_89 : i32
      %max3A = arith.constant 0 : i32
      %max3A_94 = arith.maxsi %sub3A_93, %max3A : i32
      %min3A_95 = arith.minsi %max3A_94, %min3A_92 : i32
      %while3A_96 = arith.constant 0 : i32
      %while3A_97 = arith.subi %min3A_92, %min3A_95 : i32
      %while3A_98 = arith.addi %min3A_95, %while3A_97 : i32
      %while3A_99 = arith.constant 1 : i32
      %while3A_100 = arith.divsi %while3A_97, %while3A_99 : i32
      %while3A_101 = arith.muli %while3A_100, %while3A_99 : i32
      %while3A_102 = arith.addi %min3A_95, %while3A_101 : i32
      %while3A_103 = arith.constant 1 : i32
      %while3A_104 = scf.for %while3A_108 = %min3A_95 to %while3A_102 step %while3A_103 iter_args(%while3A_109 = %while3A_96) -> (i32)  : i32 {
        %broadcast_in_dim3A_110 = vector.broadcast %while3A_108 : i32 to vector<16xi32>
        %gather3A = tpu.vector_load_idx %arg9[%broadcast_in_dim3A_110] : memref<64xi32, #tpu.memory_space<vmem>>[vector<16xi32>], vector<16xi32>,
        %reduce_max3A = arith.constant true
        %reduce_max3A_111 = vector.broadcast %reduce_max3A : i1 to vector<16xi1>
        %reduce_max3A_112 = arith.constant -2147483648 : i32
        %reduce_max3A_113 = vector.broadcast %reduce_max3A_112 : i32 to vector<16xi32>
        %reduce_max3A_114 = arith.xori %gather3A, %reduce_max3A_113 : vector<16xi32>
        %reduce_max3A_115 = tpu.scan <max>, %reduce_max3A_114 masked %reduce_max3A_111 : vector<16xi32>, vector<16xi1> -> vector<16xi32>
        %reduce_max3A_116 = arith.xori %reduce_max3A_115, %reduce_max3A_113 : vector<16xi32>
        %reduce_max3A_117 = vector.extract %reduce_max3A_116[15] : i32 from vector<16xi32>
        %sub3A_118 = arith.subi %reduce_max3A_117, %mul3A_2 : i32
        %scan3A_119 = arith.constant 0 : i32
        %scan3A_120 = arith.constant 48 : i32
        %scan3A_121 = arith.addi %scan3A_119, %scan3A_120 : i32
        %scan3A_122 = arith.constant 1 : i32
        %scan3A_123:2 = scf.for %scan3A_186 = %scan3A_119 to %scan3A_121 step %scan3A_122 iter_args(%scan3A_187 = %broadcast_in_dim3A_3, %scan3A_188 = %broadcast_in_dim3A_3) -> (vector<16xf32>, vector<16xf32>)  : i32 {
          %mul3A_189 = arith.constant 16 : i32
          %mul3A_190 = arith.muli %scan3A_186, %mul3A_189 : i32
          %get3A_191 = arith.index_cast %while3A_108 : i32 to index
          %get3A_192 = arith.index_cast %mul3A_190 : i32 to index
          %get3A_193 = tpu.vector_load %arg8[%get3A_191, %get3A_192] {strides = array<i32>} : memref<64x768xf32, #tpu.memory_space<vmem>>, vector<16xf32>,
          %add3A_194 = arith.addf %scan3A_187, %get3A_193 : vector<16xf32>
          %mul3A_195 = arith.mulf %get3A_193, %get3A_193 : vector<16xf32>
          %add3A_196 = arith.addf %scan3A_188, %mul3A_195 : vector<16xf32>
          scf.yield %add3A_194, %add3A_196 : vector<16xf32>, vector<16xf32>
        }
        %scan3A_124 = arith.constant 48 : i32
        %reduce_sum3A = arith.constant true
        %reduce_sum3A_125 = vector.broadcast %reduce_sum3A : i1 to vector<16xi1>
        %reduce_sum3A_126 = tpu.scan <sum>, %scan3A_123#0 masked %reduce_sum3A_125 : vector<16xf32>, vector<16xi1> -> vector<16xf32>
        %reduce_sum3A_127 = vector.extract %reduce_sum3A_126[15] : f32 from vector<16xf32>
        %mul3A_128 = arith.mulf %reduce_sum3A_127, %while3A : f32
        %reduce_sum3A_129 = arith.constant true
        %reduce_sum3A_130 = vector.broadcast %reduce_sum3A_129 : i1 to vector<16xi1>
        %reduce_sum3A_131 = tpu.scan <sum>, %scan3A_123#1 masked %reduce_sum3A_130 : vector<16xf32>, vector<16xi1> -> vector<16xf32>
        %reduce_sum3A_132 = vector.extract %reduce_sum3A_131[15] : f32 from vector<16xf32>
        %mul3A_133 = arith.mulf %reduce_sum3A_132, %while3A : f32
        %mul3A_134 = arith.mulf %mul3A_128, %mul3A_128 : f32
        %sub3A_135 = arith.subf %mul3A_133, %mul3A_134 : f32
        %add3A_136 = arith.constant 9.99999974E-6 : f32
        %add3A_137 = arith.addf %sub3A_135, %add3A_136 : f32
        %broadcast_in_dim3A_138 = vector.broadcast %add3A_137 : f32 to vector<16xf32>
        %bitcast_convert_type3A = tpu.bitcast %broadcast_in_dim3A_138 : vector<16xf32> -> vector<16xi32>
        %shift_right_arithmetic3A = arith.constant 1 : i32
        %shift_right_arithmetic3A_139 = vector.broadcast %shift_right_arithmetic3A : i32 to vector<16xi32>
        %shift_right_arithmetic3A_140 = arith.shrsi %bitcast_convert_type3A, %shift_right_arithmetic3A_139 : vector<16xi32>
        %sub3A_141 = arith.constant 1597463007 : i32
        %sub3A_142 = vector.broadcast %sub3A_141 : i32 to vector<16xi32>
        %sub3A_143 = arith.subi %sub3A_142, %shift_right_arithmetic3A_140 : vector<16xi32>
        %bitcast_convert_type3A_144 = tpu.bitcast %sub3A_143 : vector<16xi32> -> vector<16xf32>
        %mul3A_145 = arith.constant 5.000000e-01 : f32
        %mul3A_146 = vector.broadcast %mul3A_145 : f32 to vector<16xf32>
        %mul3A_147 = arith.mulf %broadcast_in_dim3A_138, %mul3A_146 : vector<16xf32>
        %mul3A_148 = arith.mulf %mul3A_147, %bitcast_convert_type3A_144 : vector<16xf32>
        %mul3A_149 = arith.mulf %mul3A_148, %bitcast_convert_type3A_144 : vector<16xf32>
        %sub3A_150 = arith.constant 1.500000e+00 : f32
        %sub3A_151 = vector.broadcast %sub3A_150 : f32 to vector<16xf32>
        %sub3A_152 = arith.subf %sub3A_151, %mul3A_149 : vector<16xf32>
        %mul3A_153 = arith.mulf %bitcast_convert_type3A_144, %sub3A_152 : vector<16xf32>
        %mul3A_154 = arith.mulf %mul3A_147, %mul3A_153 : vector<16xf32>
        %mul3A_155 = arith.mulf %mul3A_154, %mul3A_153 : vector<16xf32>
        %sub3A_156 = arith.constant 1.500000e+00 : f32
        %sub3A_157 = vector.broadcast %sub3A_156 : f32 to vector<16xf32>
        %sub3A_158 = arith.subf %sub3A_157, %mul3A_155 : vector<16xf32>
        %mul3A_159 = arith.mulf %mul3A_153, %sub3A_158 : vector<16xf32>
        %mul3A_160 = arith.mulf %mul3A_147, %mul3A_159 : vector<16xf32>
        %mul3A_161 = arith.mulf %mul3A_160, %mul3A_159 : vector<16xf32>
        %sub3A_162 = arith.constant 1.500000e+00 : f32
        %sub3A_163 = vector.broadcast %sub3A_162 : f32 to vector<16xf32>
        %sub3A_164 = arith.subf %sub3A_163, %mul3A_161 : vector<16xf32>
        %mul3A_165 = arith.mulf %mul3A_159, %sub3A_164 : vector<16xf32>
        %mul3A_166 = arith.mulf %mul3A_147, %mul3A_165 : vector<16xf32>
        %mul3A_167 = arith.mulf %mul3A_166, %mul3A_165 : vector<16xf32>
        %sub3A_168 = arith.constant 1.500000e+00 : f32
        %sub3A_169 = vector.broadcast %sub3A_168 : f32 to vector<16xf32>
        %sub3A_170 = arith.subf %sub3A_169, %mul3A_167 : vector<16xf32>
        %mul3A_171 = arith.mulf %mul3A_165, %sub3A_170 : vector<16xf32>
        %broadcast_in_dim3A_172 = vector.broadcast %mul3A_128 : f32 to vector<16xf32>
        %scan3A_173 = arith.constant 0 : i32
        %scan3A_174 = arith.constant 0 : i32
        %scan3A_175 = arith.constant 48 : i32
        %scan3A_176 = arith.addi %scan3A_174, %scan3A_175 : i32
        %scan3A_177 = arith.constant 1 : i32
        %scan3A_178 = scf.for %scan3A_186 = %scan3A_174 to %scan3A_176 step %scan3A_177 iter_args(%scan3A_187 = %scan3A_173) -> (i32)  : i32 {
          %mul3A_188 = arith.constant 16 : i32
          %mul3A_189 = arith.muli %scan3A_186, %mul3A_188 : i32
          %get3A_190 = arith.index_cast %while3A_108 : i32 to index
          %get3A_191 = arith.index_cast %mul3A_189 : i32 to index
          %get3A_192 = tpu.vector_load %arg8[%get3A_190, %get3A_191] {strides = array<i32>} : memref<64x768xf32, #tpu.memory_space<vmem>>, vector<16xf32>,
          %mul3A_193 = arith.constant 16 : i32
          %mul3A_194 = arith.muli %scan3A_186, %mul3A_193 : i32
          %get3A_195 = arith.index_cast %mul3A_194 : i32 to index
          %get3A_196 = tpu.vector_load %arg10[%get3A_195] {strides = array<i32>} : memref<768xf32, #tpu.memory_space<vmem>>, vector<16xf32>,
          %mul3A_197 = arith.constant 16 : i32
          %mul3A_198 = arith.muli %scan3A_186, %mul3A_197 : i32
          %get3A_199 = arith.index_cast %mul3A_198 : i32 to index
          %get3A_200 = tpu.vector_load %arg11[%get3A_199] {strides = array<i32>} : memref<768xf32, #tpu.memory_space<vmem>>, vector<16xf32>,
          %sub3A_201 = arith.subf %get3A_192, %broadcast_in_dim3A_172 : vector<16xf32>
          %mul3A_202 = arith.mulf %sub3A_201, %mul3A_171 : vector<16xf32>
          %mul3A_203 = arith.mulf %mul3A_202, %get3A_196 : vector<16xf32>
          %add3A_204 = arith.addf %mul3A_203, %get3A_200 : vector<16xf32>
          %mul3A_205 = arith.constant 16 : i32
          %mul3A_206 = arith.muli %scan3A_186, %mul3A_205 : i32
          %get3A_207 = arith.index_cast %sub3A_118 : i32 to index
          %get3A_208 = arith.index_cast %mul3A_206 : i32 to index
          %get3A_209 = tpu.vector_load %arg12[%get3A_207, %get3A_208] {strides = array<i32>} : memref<32x896xf32, #tpu.memory_space<vmem>>, vector<16xf32>,
          %add3A_210 = arith.addf %get3A_209, %add3A_204 : vector<16xf32>
          %mul3A_211 = arith.constant 16 : i32
          %mul3A_212 = arith.muli %scan3A_186, %mul3A_211 : i32
          %swap3A_213 = arith.index_cast %sub3A_118 : i32 to index
          %swap3A_214 = arith.index_cast %mul3A_212 : i32 to index
          %swap3A_215 = tpu.vector_load %arg12[%swap3A_213, %swap3A_214] {strides = array<i32>} : memref<32x896xf32, #tpu.memory_space<vmem>>, vector<16xf32>,
          tpu.vector_store %arg12[%swap3A_213, %swap3A_214], %add3A_210 {strides = array<i32>} : memref<32x896xf32, #tpu.memory_space<vmem>>, vector<16xf32>,
          %scan3A_216 = arith.constant 0 : i32
          scf.yield %scan3A_216 : i32
        }
        %scan3A_179 = arith.constant 48 : i32
        %get3A = arith.index_cast %sub3A_118 : i32 to index
        %get3A_180 = arith.constant 768 : index
        %get3A_181 = tpu.vector_load %arg12[%get3A, %get3A_180] {strides = array<i32>} : memref<32x896xf32, #tpu.memory_space<vmem>>, vector<16xf32>,
        %add3A_182 = arith.addf %get3A_181, %convert_element_type3A_74 : vector<16xf32>
        %swap3A = arith.index_cast %sub3A_118 : i32 to index
        %swap3A_183 = arith.constant 768 : index
        %swap3A_184 = tpu.vector_load %arg12[%swap3A, %swap3A_183] {strides = array<i32>} : memref<32x896xf32, #tpu.memory_space<vmem>>, vector<16xf32>,
        tpu.vector_store %arg12[%swap3A, %swap3A_183], %add3A_182 {strides = array<i32>} : memref<32x896xf32, #tpu.memory_space<vmem>>, vector<16xf32>,
        %while3A_185 = arith.constant 0 : i32
        scf.yield %while3A_185 : i32
      }
      %while3A_105 = arith.constant 1 : i32
      %while3A_106 = scf.for %while3A_108 = %while3A_102 to %while3A_98 step %while3A_105 iter_args(%while3A_109 = %while3A_104) -> (i32)  : i32 {
        %broadcast_in_dim3A_110 = vector.broadcast %while3A_108 : i32 to vector<16xi32>
        %gather3A = tpu.vector_load_idx %arg9[%broadcast_in_dim3A_110] : memref<64xi32, #tpu.memory_space<vmem>>[vector<16xi32>], vector<16xi32>,
        %reduce_max3A = arith.constant true
        %reduce_max3A_111 = vector.broadcast %reduce_max3A : i1 to vector<16xi1>
        %reduce_max3A_112 = arith.constant -2147483648 : i32
        %reduce_max3A_113 = vector.broadcast %reduce_max3A_112 : i32 to vector<16xi32>
        %reduce_max3A_114 = arith.xori %gather3A, %reduce_max3A_113 : vector<16xi32>
        %reduce_max3A_115 = tpu.scan <max>, %reduce_max3A_114 masked %reduce_max3A_111 : vector<16xi32>, vector<16xi1> -> vector<16xi32>
        %reduce_max3A_116 = arith.xori %reduce_max3A_115, %reduce_max3A_113 : vector<16xi32>
        %reduce_max3A_117 = vector.extract %reduce_max3A_116[15] : i32 from vector<16xi32>
        %sub3A_118 = arith.subi %reduce_max3A_117, %mul3A_2 : i32
        %scan3A_119 = arith.constant 0 : i32
        %scan3A_120 = arith.constant 48 : i32
        %scan3A_121 = arith.addi %scan3A_119, %scan3A_120 : i32
        %scan3A_122 = arith.constant 1 : i32
        %scan3A_123:2 = scf.for %scan3A_186 = %scan3A_119 to %scan3A_121 step %scan3A_122 iter_args(%scan3A_187 = %broadcast_in_dim3A_3, %scan3A_188 = %broadcast_in_dim3A_3) -> (vector<16xf32>, vector<16xf32>)  : i32 {
          %mul3A_189 = arith.constant 16 : i32
          %mul3A_190 = arith.muli %scan3A_186, %mul3A_189 : i32
          %get3A_191 = arith.index_cast %while3A_108 : i32 to index
          %get3A_192 = arith.index_cast %mul3A_190 : i32 to index
          %get3A_193 = tpu.vector_load %arg8[%get3A_191, %get3A_192] {strides = array<i32>} : memref<64x768xf32, #tpu.memory_space<vmem>>, vector<16xf32>,
          %add3A_194 = arith.addf %scan3A_187, %get3A_193 : vector<16xf32>
          %mul3A_195 = arith.mulf %get3A_193, %get3A_193 : vector<16xf32>
          %add3A_196 = arith.addf %scan3A_188, %mul3A_195 : vector<16xf32>
          scf.yield %add3A_194, %add3A_196 : vector<16xf32>, vector<16xf32>
        }
        %scan3A_124 = arith.constant 48 : i32
        %reduce_sum3A = arith.constant true
        %reduce_sum3A_125 = vector.broadcast %reduce_sum3A : i1 to vector<16xi1>
        %reduce_sum3A_126 = tpu.scan <sum>, %scan3A_123#0 masked %reduce_sum3A_125 : vector<16xf32>, vector<16xi1> -> vector<16xf32>
        %reduce_sum3A_127 = vector.extract %reduce_sum3A_126[15] : f32 from vector<16xf32>
        %mul3A_128 = arith.mulf %reduce_sum3A_127, %while3A : f32
        %reduce_sum3A_129 = arith.constant true
        %reduce_sum3A_130 = vector.broadcast %reduce_sum3A_129 : i1 to vector<16xi1>
        %reduce_sum3A_131 = tpu.scan <sum>, %scan3A_123#1 masked %reduce_sum3A_130 : vector<16xf32>, vector<16xi1> -> vector<16xf32>
        %reduce_sum3A_132 = vector.extract %reduce_sum3A_131[15] : f32 from vector<16xf32>
        %mul3A_133 = arith.mulf %reduce_sum3A_132, %while3A : f32
        %mul3A_134 = arith.mulf %mul3A_128, %mul3A_128 : f32
        %sub3A_135 = arith.subf %mul3A_133, %mul3A_134 : f32
        %add3A_136 = arith.constant 9.99999974E-6 : f32
        %add3A_137 = arith.addf %sub3A_135, %add3A_136 : f32
        %broadcast_in_dim3A_138 = vector.broadcast %add3A_137 : f32 to vector<16xf32>
        %bitcast_convert_type3A = tpu.bitcast %broadcast_in_dim3A_138 : vector<16xf32> -> vector<16xi32>
        %shift_right_arithmetic3A = arith.constant 1 : i32
        %shift_right_arithmetic3A_139 = vector.broadcast %shift_right_arithmetic3A : i32 to vector<16xi32>
        %shift_right_arithmetic3A_140 = arith.shrsi %bitcast_convert_type3A, %shift_right_arithmetic3A_139 : vector<16xi32>
        %sub3A_141 = arith.constant 1597463007 : i32
        %sub3A_142 = vector.broadcast %sub3A_141 : i32 to vector<16xi32>
        %sub3A_143 = arith.subi %sub3A_142, %shift_right_arithmetic3A_140 : vector<16xi32>
        %bitcast_convert_type3A_144 = tpu.bitcast %sub3A_143 : vector<16xi32> -> vector<16xf32>
        %mul3A_145 = arith.constant 5.000000e-01 : f32
        %mul3A_146 = vector.broadcast %mul3A_145 : f32 to vector<16xf32>
        %mul3A_147 = arith.mulf %broadcast_in_dim3A_138, %mul3A_146 : vector<16xf32>
        %mul3A_148 = arith.mulf %mul3A_147, %bitcast_convert_type3A_144 : vector<16xf32>
        %mul3A_149 = arith.mulf %mul3A_148, %bitcast_convert_type3A_144 : vector<16xf32>
        %sub3A_150 = arith.constant 1.500000e+00 : f32
        %sub3A_151 = vector.broadcast %sub3A_150 : f32 to vector<16xf32>
        %sub3A_152 = arith.subf %sub3A_151, %mul3A_149 : vector<16xf32>
        %mul3A_153 = arith.mulf %bitcast_convert_type3A_144, %sub3A_152 : vector<16xf32>
        %mul3A_154 = arith.mulf %mul3A_147, %mul3A_153 : vector<16xf32>
        %mul3A_155 = arith.mulf %mul3A_154, %mul3A_153 : vector<16xf32>
        %sub3A_156 = arith.constant 1.500000e+00 : f32
        %sub3A_157 = vector.broadcast %sub3A_156 : f32 to vector<16xf32>
        %sub3A_158 = arith.subf %sub3A_157, %mul3A_155 : vector<16xf32>
        %mul3A_159 = arith.mulf %mul3A_153, %sub3A_158 : vector<16xf32>
        %mul3A_160 = arith.mulf %mul3A_147, %mul3A_159 : vector<16xf32>
        %mul3A_161 = arith.mulf %mul3A_160, %mul3A_159 : vector<16xf32>
        %sub3A_162 = arith.constant 1.500000e+00 : f32
        %sub3A_163 = vector.broadcast %sub3A_162 : f32 to vector<16xf32>
        %sub3A_164 = arith.subf %sub3A_163, %mul3A_161 : vector<16xf32>
        %mul3A_165 = arith.mulf %mul3A_159, %sub3A_164 : vector<16xf32>
        %mul3A_166 = arith.mulf %mul3A_147, %mul3A_165 : vector<16xf32>
        %mul3A_167 = arith.mulf %mul3A_166, %mul3A_165 : vector<16xf32>
        %sub3A_168 = arith.constant 1.500000e+00 : f32
        %sub3A_169 = vector.broadcast %sub3A_168 : f32 to vector<16xf32>
        %sub3A_170 = arith.subf %sub3A_169, %mul3A_167 : vector<16xf32>
        %mul3A_171 = arith.mulf %mul3A_165, %sub3A_170 : vector<16xf32>
        %broadcast_in_dim3A_172 = vector.broadcast %mul3A_128 : f32 to vector<16xf32>
        %scan3A_173 = arith.constant 0 : i32
        %scan3A_174 = arith.constant 0 : i32
        %scan3A_175 = arith.constant 48 : i32
        %scan3A_176 = arith.addi %scan3A_174, %scan3A_175 : i32
        %scan3A_177 = arith.constant 1 : i32
        %scan3A_178 = scf.for %scan3A_186 = %scan3A_174 to %scan3A_176 step %scan3A_177 iter_args(%scan3A_187 = %scan3A_173) -> (i32)  : i32 {
          %mul3A_188 = arith.constant 16 : i32
          %mul3A_189 = arith.muli %scan3A_186, %mul3A_188 : i32
          %get3A_190 = arith.index_cast %while3A_108 : i32 to index
          %get3A_191 = arith.index_cast %mul3A_189 : i32 to index
          %get3A_192 = tpu.vector_load %arg8[%get3A_190, %get3A_191] {strides = array<i32>} : memref<64x768xf32, #tpu.memory_space<vmem>>, vector<16xf32>,
          %mul3A_193 = arith.constant 16 : i32
          %mul3A_194 = arith.muli %scan3A_186, %mul3A_193 : i32
          %get3A_195 = arith.index_cast %mul3A_194 : i32 to index
          %get3A_196 = tpu.vector_load %arg10[%get3A_195] {strides = array<i32>} : memref<768xf32, #tpu.memory_space<vmem>>, vector<16xf32>,
          %mul3A_197 = arith.constant 16 : i32
          %mul3A_198 = arith.muli %scan3A_186, %mul3A_197 : i32
          %get3A_199 = arith.index_cast %mul3A_198 : i32 to index
          %get3A_200 = tpu.vector_load %arg11[%get3A_199] {strides = array<i32>} : memref<768xf32, #tpu.memory_space<vmem>>, vector<16xf32>,
          %sub3A_201 = arith.subf %get3A_192, %broadcast_in_dim3A_172 : vector<16xf32>
          %mul3A_202 = arith.mulf %sub3A_201, %mul3A_171 : vector<16xf32>
          %mul3A_203 = arith.mulf %mul3A_202, %get3A_196 : vector<16xf32>
          %add3A_204 = arith.addf %mul3A_203, %get3A_200 : vector<16xf32>
          %mul3A_205 = arith.constant 16 : i32
          %mul3A_206 = arith.muli %scan3A_186, %mul3A_205 : i32
          %get3A_207 = arith.index_cast %sub3A_118 : i32 to index
          %get3A_208 = arith.index_cast %mul3A_206 : i32 to index
          %get3A_209 = tpu.vector_load %arg12[%get3A_207, %get3A_208] {strides = array<i32>} : memref<32x896xf32, #tpu.memory_space<vmem>>, vector<16xf32>,
          %add3A_210 = arith.addf %get3A_209, %add3A_204 : vector<16xf32>
          %mul3A_211 = arith.constant 16 : i32
          %mul3A_212 = arith.muli %scan3A_186, %mul3A_211 : i32
          %swap3A_213 = arith.index_cast %sub3A_118 : i32 to index
          %swap3A_214 = arith.index_cast %mul3A_212 : i32 to index
          %swap3A_215 = tpu.vector_load %arg12[%swap3A_213, %swap3A_214] {strides = array<i32>} : memref<32x896xf32, #tpu.memory_space<vmem>>, vector<16xf32>,
          tpu.vector_store %arg12[%swap3A_213, %swap3A_214], %add3A_210 {strides = array<i32>} : memref<32x896xf32, #tpu.memory_space<vmem>>, vector<16xf32>,
          %scan3A_216 = arith.constant 0 : i32
          scf.yield %scan3A_216 : i32
        }
        %scan3A_179 = arith.constant 48 : i32
        %get3A = arith.index_cast %sub3A_118 : i32 to index
        %get3A_180 = arith.constant 768 : index
        %get3A_181 = tpu.vector_load %arg12[%get3A, %get3A_180] {strides = array<i32>} : memref<32x896xf32, #tpu.memory_space<vmem>>, vector<16xf32>,
        %add3A_182 = arith.addf %get3A_181, %convert_element_type3A_74 : vector<16xf32>
        %swap3A = arith.index_cast %sub3A_118 : i32 to index
        %swap3A_183 = arith.constant 768 : index
        %swap3A_184 = tpu.vector_load %arg12[%swap3A, %swap3A_183] {strides = array<i32>} : memref<32x896xf32, #tpu.memory_space<vmem>>, vector<16xf32>,
        tpu.vector_store %arg12[%swap3A, %swap3A_183], %add3A_182 {strides = array<i32>} : memref<32x896xf32, #tpu.memory_space<vmem>>, vector<16xf32>,
        %while3A_185 = arith.constant 0 : i32
        scf.yield %while3A_185 : i32
      }
      %while3A_107 = arith.constant 0 : i32
      scf.yield %while3A_107 : i32
    }
    %while3A_84 = arith.constant 1 : i32
    %while3A_85 = scf.for %while3A_86 = %while3A_81 to %while3A_77 step %while3A_84 iter_args(%while3A_87 = %while3A_83) -> (i32)  : i32 {
      %mul3A_88 = arith.constant 64 : i32
      %mul3A_89 = arith.muli %while3A_86, %mul3A_88 : i32
      "tpu.region"() ({
        %run_scoped3A = tpu.sem_alloc : memref<!tpu.dma_semaphore, #tpu.memory_space<semaphore_mem>>
        %dma_start3A = tpu.memref_slice %arg3[%mul3A_89] : memref<16384xi32, #tpu.memory_space<hbm>> -> memref<64xi32, #tpu.memory_space<hbm>>
        %dma_start3A_108 = tpu.memref_slice %arg3[%mul3A_89] : memref<16384xi32, #tpu.memory_space<hbm>> -> memref<64xi32, #tpu.memory_space<hbm>>
        tpu.enqueue_dma source(%dma_start3A_108 : memref<64xi32, #tpu.memory_space<hbm>>) target(%arg9 : memref<64xi32, #tpu.memory_space<vmem>>) target_semaphore(%run_scoped3A : memref<!tpu.dma_semaphore, #tpu.memory_space<semaphore_mem>>)
        %dma_wait3A = tpu.memref_slice %arg3[%mul3A_89] : memref<16384xi32, #tpu.memory_space<hbm>> -> memref<64xi32, #tpu.memory_space<hbm>>
        %dma_wait3A_109 = tpu.memref_slice %arg3[%mul3A_89] : memref<16384xi32, #tpu.memory_space<hbm>> -> memref<64xi32, #tpu.memory_space<hbm>>
        tpu.wait_dma2 semaphore(%run_scoped3A : memref<!tpu.dma_semaphore, #tpu.memory_space<semaphore_mem>>) src(%dma_wait3A_109 : memref<64xi32, #tpu.memory_space<hbm>>) dst(%arg9 : memref<64xi32, #tpu.memory_space<vmem>>)
        tpu.yield
      }) : () -> ()
      "tpu.region"() ({
        %run_scoped3A = tpu.sem_alloc : memref<!tpu.dma_semaphore, #tpu.memory_space<semaphore_mem>>
        %dma_start3A = arith.constant 0 : i32
        %dma_start3A_108 = tpu.memref_slice %arg2[%mul3A_89, %dma_start3A] : memref<16384x768xf32, #tpu.memory_space<hbm>> -> memref<64x768xf32, #tpu.memory_space<hbm>>
        %dma_start3A_109 = arith.constant 0 : i32
        %dma_start3A_110 = tpu.memref_slice %arg2[%mul3A_89, %dma_start3A_109] : memref<16384x768xf32, #tpu.memory_space<hbm>> -> memref<64x768xf32, #tpu.memory_space<hbm>>
        tpu.enqueue_dma source(%dma_start3A_110 : memref<64x768xf32, #tpu.memory_space<hbm>>) target(%arg8 : memref<64x768xf32, #tpu.memory_space<vmem>>) target_semaphore(%run_scoped3A : memref<!tpu.dma_semaphore, #tpu.memory_space<semaphore_mem>>)
        %dma_wait3A = arith.constant 0 : i32
        %dma_wait3A_111 = tpu.memref_slice %arg2[%mul3A_89, %dma_wait3A] : memref<16384x768xf32, #tpu.memory_space<hbm>> -> memref<64x768xf32, #tpu.memory_space<hbm>>
        %dma_wait3A_112 = arith.constant 0 : i32
        %dma_wait3A_113 = tpu.memref_slice %arg2[%mul3A_89, %dma_wait3A_112] : memref<16384x768xf32, #tpu.memory_space<hbm>> -> memref<64x768xf32, #tpu.memory_space<hbm>>
        tpu.wait_dma2 semaphore(%run_scoped3A : memref<!tpu.dma_semaphore, #tpu.memory_space<semaphore_mem>>) src(%dma_wait3A_113 : memref<64x768xf32, #tpu.memory_space<hbm>>) dst(%arg8 : memref<64x768xf32, #tpu.memory_space<vmem>>)
        tpu.yield
      }) : () -> ()
      %sub3A_90 = arith.subi %scan3A_26#0, %mul3A_89 : i32
      %min3A_91 = arith.constant 64 : i32
      %min3A_92 = arith.minsi %sub3A_90, %min3A_91 : i32
      %sub3A_93 = arith.subi %scan3A_16#0, %mul3A_89 : i32
      %max3A = arith.constant 0 : i32
      %max3A_94 = arith.maxsi %sub3A_93, %max3A : i32
      %min3A_95 = arith.minsi %max3A_94, %min3A_92 : i32
      %while3A_96 = arith.constant 0 : i32
      %while3A_97 = arith.subi %min3A_92, %min3A_95 : i32
      %while3A_98 = arith.addi %min3A_95, %while3A_97 : i32
      %while3A_99 = arith.constant 1 : i32
      %while3A_100 = arith.divsi %while3A_97, %while3A_99 : i32
      %while3A_101 = arith.muli %while3A_100, %while3A_99 : i32
      %while3A_102 = arith.addi %min3A_95, %while3A_101 : i32
      %while3A_103 = arith.constant 1 : i32
      %while3A_104 = scf.for %while3A_108 = %min3A_95 to %while3A_102 step %while3A_103 iter_args(%while3A_109 = %while3A_96) -> (i32)  : i32 {
        %broadcast_in_dim3A_110 = vector.broadcast %while3A_108 : i32 to vector<16xi32>
        %gather3A = tpu.vector_load_idx %arg9[%broadcast_in_dim3A_110] : memref<64xi32, #tpu.memory_space<vmem>>[vector<16xi32>], vector<16xi32>,
        %reduce_max3A = arith.constant true
        %reduce_max3A_111 = vector.broadcast %reduce_max3A : i1 to vector<16xi1>
        %reduce_max3A_112 = arith.constant -2147483648 : i32
        %reduce_max3A_113 = vector.broadcast %reduce_max3A_112 : i32 to vector<16xi32>
        %reduce_max3A_114 = arith.xori %gather3A, %reduce_max3A_113 : vector<16xi32>
        %reduce_max3A_115 = tpu.scan <max>, %reduce_max3A_114 masked %reduce_max3A_111 : vector<16xi32>, vector<16xi1> -> vector<16xi32>
        %reduce_max3A_116 = arith.xori %reduce_max3A_115, %reduce_max3A_113 : vector<16xi32>
        %reduce_max3A_117 = vector.extract %reduce_max3A_116[15] : i32 from vector<16xi32>
        %sub3A_118 = arith.subi %reduce_max3A_117, %mul3A_2 : i32
        %scan3A_119 = arith.constant 0 : i32
        %scan3A_120 = arith.constant 48 : i32
        %scan3A_121 = arith.addi %scan3A_119, %scan3A_120 : i32
        %scan3A_122 = arith.constant 1 : i32
        %scan3A_123:2 = scf.for %scan3A_186 = %scan3A_119 to %scan3A_121 step %scan3A_122 iter_args(%scan3A_187 = %broadcast_in_dim3A_3, %scan3A_188 = %broadcast_in_dim3A_3) -> (vector<16xf32>, vector<16xf32>)  : i32 {
          %mul3A_189 = arith.constant 16 : i32
          %mul3A_190 = arith.muli %scan3A_186, %mul3A_189 : i32
          %get3A_191 = arith.index_cast %while3A_108 : i32 to index
          %get3A_192 = arith.index_cast %mul3A_190 : i32 to index
          %get3A_193 = tpu.vector_load %arg8[%get3A_191, %get3A_192] {strides = array<i32>} : memref<64x768xf32, #tpu.memory_space<vmem>>, vector<16xf32>,
          %add3A_194 = arith.addf %scan3A_187, %get3A_193 : vector<16xf32>
          %mul3A_195 = arith.mulf %get3A_193, %get3A_193 : vector<16xf32>
          %add3A_196 = arith.addf %scan3A_188, %mul3A_195 : vector<16xf32>
          scf.yield %add3A_194, %add3A_196 : vector<16xf32>, vector<16xf32>
        }
        %scan3A_124 = arith.constant 48 : i32
        %reduce_sum3A = arith.constant true
        %reduce_sum3A_125 = vector.broadcast %reduce_sum3A : i1 to vector<16xi1>
        %reduce_sum3A_126 = tpu.scan <sum>, %scan3A_123#0 masked %reduce_sum3A_125 : vector<16xf32>, vector<16xi1> -> vector<16xf32>
        %reduce_sum3A_127 = vector.extract %reduce_sum3A_126[15] : f32 from vector<16xf32>
        %mul3A_128 = arith.mulf %reduce_sum3A_127, %while3A : f32
        %reduce_sum3A_129 = arith.constant true
        %reduce_sum3A_130 = vector.broadcast %reduce_sum3A_129 : i1 to vector<16xi1>
        %reduce_sum3A_131 = tpu.scan <sum>, %scan3A_123#1 masked %reduce_sum3A_130 : vector<16xf32>, vector<16xi1> -> vector<16xf32>
        %reduce_sum3A_132 = vector.extract %reduce_sum3A_131[15] : f32 from vector<16xf32>
        %mul3A_133 = arith.mulf %reduce_sum3A_132, %while3A : f32
        %mul3A_134 = arith.mulf %mul3A_128, %mul3A_128 : f32
        %sub3A_135 = arith.subf %mul3A_133, %mul3A_134 : f32
        %add3A_136 = arith.constant 9.99999974E-6 : f32
        %add3A_137 = arith.addf %sub3A_135, %add3A_136 : f32
        %broadcast_in_dim3A_138 = vector.broadcast %add3A_137 : f32 to vector<16xf32>
        %bitcast_convert_type3A = tpu.bitcast %broadcast_in_dim3A_138 : vector<16xf32> -> vector<16xi32>
        %shift_right_arithmetic3A = arith.constant 1 : i32
        %shift_right_arithmetic3A_139 = vector.broadcast %shift_right_arithmetic3A : i32 to vector<16xi32>
        %shift_right_arithmetic3A_140 = arith.shrsi %bitcast_convert_type3A, %shift_right_arithmetic3A_139 : vector<16xi32>
        %sub3A_141 = arith.constant 1597463007 : i32
        %sub3A_142 = vector.broadcast %sub3A_141 : i32 to vector<16xi32>
        %sub3A_143 = arith.subi %sub3A_142, %shift_right_arithmetic3A_140 : vector<16xi32>
        %bitcast_convert_type3A_144 = tpu.bitcast %sub3A_143 : vector<16xi32> -> vector<16xf32>
        %mul3A_145 = arith.constant 5.000000e-01 : f32
        %mul3A_146 = vector.broadcast %mul3A_145 : f32 to vector<16xf32>
        %mul3A_147 = arith.mulf %broadcast_in_dim3A_138, %mul3A_146 : vector<16xf32>
        %mul3A_148 = arith.mulf %mul3A_147, %bitcast_convert_type3A_144 : vector<16xf32>
        %mul3A_149 = arith.mulf %mul3A_148, %bitcast_convert_type3A_144 : vector<16xf32>
        %sub3A_150 = arith.constant 1.500000e+00 : f32
        %sub3A_151 = vector.broadcast %sub3A_150 : f32 to vector<16xf32>
        %sub3A_152 = arith.subf %sub3A_151, %mul3A_149 : vector<16xf32>
        %mul3A_153 = arith.mulf %bitcast_convert_type3A_144, %sub3A_152 : vector<16xf32>
        %mul3A_154 = arith.mulf %mul3A_147, %mul3A_153 : vector<16xf32>
        %mul3A_155 = arith.mulf %mul3A_154, %mul3A_153 : vector<16xf32>
        %sub3A_156 = arith.constant 1.500000e+00 : f32
        %sub3A_157 = vector.broadcast %sub3A_156 : f32 to vector<16xf32>
        %sub3A_158 = arith.subf %sub3A_157, %mul3A_155 : vector<16xf32>
        %mul3A_159 = arith.mulf %mul3A_153, %sub3A_158 : vector<16xf32>
        %mul3A_160 = arith.mulf %mul3A_147, %mul3A_159 : vector<16xf32>
        %mul3A_161 = arith.mulf %mul3A_160, %mul3A_159 : vector<16xf32>
        %sub3A_162 = arith.constant 1.500000e+00 : f32
        %sub3A_163 = vector.broadcast %sub3A_162 : f32 to vector<16xf32>
        %sub3A_164 = arith.subf %sub3A_163, %mul3A_161 : vector<16xf32>
        %mul3A_165 = arith.mulf %mul3A_159, %sub3A_164 : vector<16xf32>
        %mul3A_166 = arith.mulf %mul3A_147, %mul3A_165 : vector<16xf32>
        %mul3A_167 = arith.mulf %mul3A_166, %mul3A_165 : vector<16xf32>
        %sub3A_168 = arith.constant 1.500000e+00 : f32
        %sub3A_169 = vector.broadcast %sub3A_168 : f32 to vector<16xf32>
        %sub3A_170 = arith.subf %sub3A_169, %mul3A_167 : vector<16xf32>
        %mul3A_171 = arith.mulf %mul3A_165, %sub3A_170 : vector<16xf32>
        %broadcast_in_dim3A_172 = vector.broadcast %mul3A_128 : f32 to vector<16xf32>
        %scan3A_173 = arith.constant 0 : i32
        %scan3A_174 = arith.constant 0 : i32
        %scan3A_175 = arith.constant 48 : i32
        %scan3A_176 = arith.addi %scan3A_174, %scan3A_175 : i32
        %scan3A_177 = arith.constant 1 : i32
        %scan3A_178 = scf.for %scan3A_186 = %scan3A_174 to %scan3A_176 step %scan3A_177 iter_args(%scan3A_187 = %scan3A_173) -> (i32)  : i32 {
          %mul3A_188 = arith.constant 16 : i32
          %mul3A_189 = arith.muli %scan3A_186, %mul3A_188 : i32
          %get3A_190 = arith.index_cast %while3A_108 : i32 to index
          %get3A_191 = arith.index_cast %mul3A_189 : i32 to index
          %get3A_192 = tpu.vector_load %arg8[%get3A_190, %get3A_191] {strides = array<i32>} : memref<64x768xf32, #tpu.memory_space<vmem>>, vector<16xf32>,
          %mul3A_193 = arith.constant 16 : i32
          %mul3A_194 = arith.muli %scan3A_186, %mul3A_193 : i32
          %get3A_195 = arith.index_cast %mul3A_194 : i32 to index
          %get3A_196 = tpu.vector_load %arg10[%get3A_195] {strides = array<i32>} : memref<768xf32, #tpu.memory_space<vmem>>, vector<16xf32>,
          %mul3A_197 = arith.constant 16 : i32
          %mul3A_198 = arith.muli %scan3A_186, %mul3A_197 : i32
          %get3A_199 = arith.index_cast %mul3A_198 : i32 to index
          %get3A_200 = tpu.vector_load %arg11[%get3A_199] {strides = array<i32>} : memref<768xf32, #tpu.memory_space<vmem>>, vector<16xf32>,
          %sub3A_201 = arith.subf %get3A_192, %broadcast_in_dim3A_172 : vector<16xf32>
          %mul3A_202 = arith.mulf %sub3A_201, %mul3A_171 : vector<16xf32>
          %mul3A_203 = arith.mulf %mul3A_202, %get3A_196 : vector<16xf32>
          %add3A_204 = arith.addf %mul3A_203, %get3A_200 : vector<16xf32>
          %mul3A_205 = arith.constant 16 : i32
          %mul3A_206 = arith.muli %scan3A_186, %mul3A_205 : i32
          %get3A_207 = arith.index_cast %sub3A_118 : i32 to index
          %get3A_208 = arith.index_cast %mul3A_206 : i32 to index
          %get3A_209 = tpu.vector_load %arg12[%get3A_207, %get3A_208] {strides = array<i32>} : memref<32x896xf32, #tpu.memory_space<vmem>>, vector<16xf32>,
          %add3A_210 = arith.addf %get3A_209, %add3A_204 : vector<16xf32>
          %mul3A_211 = arith.constant 16 : i32
          %mul3A_212 = arith.muli %scan3A_186, %mul3A_211 : i32
          %swap3A_213 = arith.index_cast %sub3A_118 : i32 to index
          %swap3A_214 = arith.index_cast %mul3A_212 : i32 to index
          %swap3A_215 = tpu.vector_load %arg12[%swap3A_213, %swap3A_214] {strides = array<i32>} : memref<32x896xf32, #tpu.memory_space<vmem>>, vector<16xf32>,
          tpu.vector_store %arg12[%swap3A_213, %swap3A_214], %add3A_210 {strides = array<i32>} : memref<32x896xf32, #tpu.memory_space<vmem>>, vector<16xf32>,
          %scan3A_216 = arith.constant 0 : i32
          scf.yield %scan3A_216 : i32
        }
        %scan3A_179 = arith.constant 48 : i32
        %get3A = arith.index_cast %sub3A_118 : i32 to index
        %get3A_180 = arith.constant 768 : index
        %get3A_181 = tpu.vector_load %arg12[%get3A, %get3A_180] {strides = array<i32>} : memref<32x896xf32, #tpu.memory_space<vmem>>, vector<16xf32>,
        %add3A_182 = arith.addf %get3A_181, %convert_element_type3A_74 : vector<16xf32>
        %swap3A = arith.index_cast %sub3A_118 : i32 to index
        %swap3A_183 = arith.constant 768 : index
        %swap3A_184 = tpu.vector_load %arg12[%swap3A, %swap3A_183] {strides = array<i32>} : memref<32x896xf32, #tpu.memory_space<vmem>>, vector<16xf32>,
        tpu.vector_store %arg12[%swap3A, %swap3A_183], %add3A_182 {strides = array<i32>} : memref<32x896xf32, #tpu.memory_space<vmem>>, vector<16xf32>,
        %while3A_185 = arith.constant 0 : i32
        scf.yield %while3A_185 : i32
      }
      %while3A_105 = arith.constant 1 : i32
      %while3A_106 = scf.for %while3A_108 = %while3A_102 to %while3A_98 step %while3A_105 iter_args(%while3A_109 = %while3A_104) -> (i32)  : i32 {
        %broadcast_in_dim3A_110 = vector.broadcast %while3A_108 : i32 to vector<16xi32>
        %gather3A = tpu.vector_load_idx %arg9[%broadcast_in_dim3A_110] : memref<64xi32, #tpu.memory_space<vmem>>[vector<16xi32>], vector<16xi32>,
        %reduce_max3A = arith.constant true
        %reduce_max3A_111 = vector.broadcast %reduce_max3A : i1 to vector<16xi1>
        %reduce_max3A_112 = arith.constant -2147483648 : i32
        %reduce_max3A_113 = vector.broadcast %reduce_max3A_112 : i32 to vector<16xi32>
        %reduce_max3A_114 = arith.xori %gather3A, %reduce_max3A_113 : vector<16xi32>
        %reduce_max3A_115 = tpu.scan <max>, %reduce_max3A_114 masked %reduce_max3A_111 : vector<16xi32>, vector<16xi1> -> vector<16xi32>
        %reduce_max3A_116 = arith.xori %reduce_max3A_115, %reduce_max3A_113 : vector<16xi32>
        %reduce_max3A_117 = vector.extract %reduce_max3A_116[15] : i32 from vector<16xi32>
        %sub3A_118 = arith.subi %reduce_max3A_117, %mul3A_2 : i32
        %scan3A_119 = arith.constant 0 : i32
        %scan3A_120 = arith.constant 48 : i32
        %scan3A_121 = arith.addi %scan3A_119, %scan3A_120 : i32
        %scan3A_122 = arith.constant 1 : i32
        %scan3A_123:2 = scf.for %scan3A_186 = %scan3A_119 to %scan3A_121 step %scan3A_122 iter_args(%scan3A_187 = %broadcast_in_dim3A_3, %scan3A_188 = %broadcast_in_dim3A_3) -> (vector<16xf32>, vector<16xf32>)  : i32 {
          %mul3A_189 = arith.constant 16 : i32
          %mul3A_190 = arith.muli %scan3A_186, %mul3A_189 : i32
          %get3A_191 = arith.index_cast %while3A_108 : i32 to index
          %get3A_192 = arith.index_cast %mul3A_190 : i32 to index
          %get3A_193 = tpu.vector_load %arg8[%get3A_191, %get3A_192] {strides = array<i32>} : memref<64x768xf32, #tpu.memory_space<vmem>>, vector<16xf32>,
          %add3A_194 = arith.addf %scan3A_187, %get3A_193 : vector<16xf32>
          %mul3A_195 = arith.mulf %get3A_193, %get3A_193 : vector<16xf32>
          %add3A_196 = arith.addf %scan3A_188, %mul3A_195 : vector<16xf32>
          scf.yield %add3A_194, %add3A_196 : vector<16xf32>, vector<16xf32>
        }
        %scan3A_124 = arith.constant 48 : i32
        %reduce_sum3A = arith.constant true
        %reduce_sum3A_125 = vector.broadcast %reduce_sum3A : i1 to vector<16xi1>
        %reduce_sum3A_126 = tpu.scan <sum>, %scan3A_123#0 masked %reduce_sum3A_125 : vector<16xf32>, vector<16xi1> -> vector<16xf32>
        %reduce_sum3A_127 = vector.extract %reduce_sum3A_126[15] : f32 from vector<16xf32>
        %mul3A_128 = arith.mulf %reduce_sum3A_127, %while3A : f32
        %reduce_sum3A_129 = arith.constant true
        %reduce_sum3A_130 = vector.broadcast %reduce_sum3A_129 : i1 to vector<16xi1>
        %reduce_sum3A_131 = tpu.scan <sum>, %scan3A_123#1 masked %reduce_sum3A_130 : vector<16xf32>, vector<16xi1> -> vector<16xf32>
        %reduce_sum3A_132 = vector.extract %reduce_sum3A_131[15] : f32 from vector<16xf32>
        %mul3A_133 = arith.mulf %reduce_sum3A_132, %while3A : f32
        %mul3A_134 = arith.mulf %mul3A_128, %mul3A_128 : f32
        %sub3A_135 = arith.subf %mul3A_133, %mul3A_134 : f32
        %add3A_136 = arith.constant 9.99999974E-6 : f32
        %add3A_137 = arith.addf %sub3A_135, %add3A_136 : f32
        %broadcast_in_dim3A_138 = vector.broadcast %add3A_137 : f32 to vector<16xf32>
        %bitcast_convert_type3A = tpu.bitcast %broadcast_in_dim3A_138 : vector<16xf32> -> vector<16xi32>
        %shift_right_arithmetic3A = arith.constant 1 : i32
        %shift_right_arithmetic3A_139 = vector.broadcast %shift_right_arithmetic3A : i32 to vector<16xi32>
        %shift_right_arithmetic3A_140 = arith.shrsi %bitcast_convert_type3A, %shift_right_arithmetic3A_139 : vector<16xi32>
        %sub3A_141 = arith.constant 1597463007 : i32
        %sub3A_142 = vector.broadcast %sub3A_141 : i32 to vector<16xi32>
        %sub3A_143 = arith.subi %sub3A_142, %shift_right_arithmetic3A_140 : vector<16xi32>
        %bitcast_convert_type3A_144 = tpu.bitcast %sub3A_143 : vector<16xi32> -> vector<16xf32>
        %mul3A_145 = arith.constant 5.000000e-01 : f32
        %mul3A_146 = vector.broadcast %mul3A_145 : f32 to vector<16xf32>
        %mul3A_147 = arith.mulf %broadcast_in_dim3A_138, %mul3A_146 : vector<16xf32>
        %mul3A_148 = arith.mulf %mul3A_147, %bitcast_convert_type3A_144 : vector<16xf32>
        %mul3A_149 = arith.mulf %mul3A_148, %bitcast_convert_type3A_144 : vector<16xf32>
        %sub3A_150 = arith.constant 1.500000e+00 : f32
        %sub3A_151 = vector.broadcast %sub3A_150 : f32 to vector<16xf32>
        %sub3A_152 = arith.subf %sub3A_151, %mul3A_149 : vector<16xf32>
        %mul3A_153 = arith.mulf %bitcast_convert_type3A_144, %sub3A_152 : vector<16xf32>
        %mul3A_154 = arith.mulf %mul3A_147, %mul3A_153 : vector<16xf32>
        %mul3A_155 = arith.mulf %mul3A_154, %mul3A_153 : vector<16xf32>
        %sub3A_156 = arith.constant 1.500000e+00 : f32
        %sub3A_157 = vector.broadcast %sub3A_156 : f32 to vector<16xf32>
        %sub3A_158 = arith.subf %sub3A_157, %mul3A_155 : vector<16xf32>
        %mul3A_159 = arith.mulf %mul3A_153, %sub3A_158 : vector<16xf32>
        %mul3A_160 = arith.mulf %mul3A_147, %mul3A_159 : vector<16xf32>
        %mul3A_161 = arith.mulf %mul3A_160, %mul3A_159 : vector<16xf32>
        %sub3A_162 = arith.constant 1.500000e+00 : f32
        %sub3A_163 = vector.broadcast %sub3A_162 : f32 to vector<16xf32>
        %sub3A_164 = arith.subf %sub3A_163, %mul3A_161 : vector<16xf32>
        %mul3A_165 = arith.mulf %mul3A_159, %sub3A_164 : vector<16xf32>
        %mul3A_166 = arith.mulf %mul3A_147, %mul3A_165 : vector<16xf32>
        %mul3A_167 = arith.mulf %mul3A_166, %mul3A_165 : vector<16xf32>
        %sub3A_168 = arith.constant 1.500000e+00 : f32
        %sub3A_169 = vector.broadcast %sub3A_168 : f32 to vector<16xf32>
        %sub3A_170 = arith.subf %sub3A_169, %mul3A_167 : vector<16xf32>
        %mul3A_171 = arith.mulf %mul3A_165, %sub3A_170 : vector<16xf32>
        %broadcast_in_dim3A_172 = vector.broadcast %mul3A_128 : f32 to vector<16xf32>
        %scan3A_173 = arith.constant 0 : i32
        %scan3A_174 = arith.constant 0 : i32
        %scan3A_175 = arith.constant 48 : i32
        %scan3A_176 = arith.addi %scan3A_174, %scan3A_175 : i32
        %scan3A_177 = arith.constant 1 : i32
        %scan3A_178 = scf.for %scan3A_186 = %scan3A_174 to %scan3A_176 step %scan3A_177 iter_args(%scan3A_187 = %scan3A_173) -> (i32)  : i32 {
          %mul3A_188 = arith.constant 16 : i32
          %mul3A_189 = arith.muli %scan3A_186, %mul3A_188 : i32
          %get3A_190 = arith.index_cast %while3A_108 : i32 to index
          %get3A_191 = arith.index_cast %mul3A_189 : i32 to index
          %get3A_192 = tpu.vector_load %arg8[%get3A_190, %get3A_191] {strides = array<i32>} : memref<64x768xf32, #tpu.memory_space<vmem>>, vector<16xf32>,
          %mul3A_193 = arith.constant 16 : i32
          %mul3A_194 = arith.muli %scan3A_186, %mul3A_193 : i32
          %get3A_195 = arith.index_cast %mul3A_194 : i32 to index
          %get3A_196 = tpu.vector_load %arg10[%get3A_195] {strides = array<i32>} : memref<768xf32, #tpu.memory_space<vmem>>, vector<16xf32>,
          %mul3A_197 = arith.constant 16 : i32
          %mul3A_198 = arith.muli %scan3A_186, %mul3A_197 : i32
          %get3A_199 = arith.index_cast %mul3A_198 : i32 to index
          %get3A_200 = tpu.vector_load %arg11[%get3A_199] {strides = array<i32>} : memref<768xf32, #tpu.memory_space<vmem>>, vector<16xf32>,
          %sub3A_201 = arith.subf %get3A_192, %broadcast_in_dim3A_172 : vector<16xf32>
          %mul3A_202 = arith.mulf %sub3A_201, %mul3A_171 : vector<16xf32>
          %mul3A_203 = arith.mulf %mul3A_202, %get3A_196 : vector<16xf32>
          %add3A_204 = arith.addf %mul3A_203, %get3A_200 : vector<16xf32>
          %mul3A_205 = arith.constant 16 : i32
          %mul3A_206 = arith.muli %scan3A_186, %mul3A_205 : i32
          %get3A_207 = arith.index_cast %sub3A_118 : i32 to index
          %get3A_208 = arith.index_cast %mul3A_206 : i32 to index
          %get3A_209 = tpu.vector_load %arg12[%get3A_207, %get3A_208] {strides = array<i32>} : memref<32x896xf32, #tpu.memory_space<vmem>>, vector<16xf32>,
          %add3A_210 = arith.addf %get3A_209, %add3A_204 : vector<16xf32>
          %mul3A_211 = arith.constant 16 : i32
          %mul3A_212 = arith.muli %scan3A_186, %mul3A_211 : i32
          %swap3A_213 = arith.index_cast %sub3A_118 : i32 to index
          %swap3A_214 = arith.index_cast %mul3A_212 : i32 to index
          %swap3A_215 = tpu.vector_load %arg12[%swap3A_213, %swap3A_214] {strides = array<i32>} : memref<32x896xf32, #tpu.memory_space<vmem>>, vector<16xf32>,
          tpu.vector_store %arg12[%swap3A_213, %swap3A_214], %add3A_210 {strides = array<i32>} : memref<32x896xf32, #tpu.memory_space<vmem>>, vector<16xf32>,
          %scan3A_216 = arith.constant 0 : i32
          scf.yield %scan3A_216 : i32
        }
        %scan3A_179 = arith.constant 48 : i32
        %get3A = arith.index_cast %sub3A_118 : i32 to index
        %get3A_180 = arith.constant 768 : index
        %get3A_181 = tpu.vector_load %arg12[%get3A, %get3A_180] {strides = array<i32>} : memref<32x896xf32, #tpu.memory_space<vmem>>, vector<16xf32>,
        %add3A_182 = arith.addf %get3A_181, %convert_element_type3A_74 : vector<16xf32>
        %swap3A = arith.index_cast %sub3A_118 : i32 to index
        %swap3A_183 = arith.constant 768 : index
        %swap3A_184 = tpu.vector_load %arg12[%swap3A, %swap3A_183] {strides = array<i32>} : memref<32x896xf32, #tpu.memory_space<vmem>>, vector<16xf32>,
        tpu.vector_store %arg12[%swap3A, %swap3A_183], %add3A_182 {strides = array<i32>} : memref<32x896xf32, #tpu.memory_space<vmem>>, vector<16xf32>,
        %while3A_185 = arith.constant 0 : i32
        scf.yield %while3A_185 : i32
      }
      %while3A_107 = arith.constant 0 : i32
      scf.yield %while3A_107 : i32
    }
    "tpu.region"() ({
      %run_scoped3A = tpu.sem_alloc : memref<!tpu.dma_semaphore, #tpu.memory_space<semaphore_mem>>
      %dma_start3A = arith.constant 0 : i32
      %dma_start3A_86 = tpu.memref_slice %arg6[%mul3A_2, %dma_start3A] : memref<1024x896xf32, #tpu.memory_space<hbm>> -> memref<32x896xf32, #tpu.memory_space<hbm>>
      %dma_start3A_87 = arith.constant 0 : i32
      %dma_start3A_88 = tpu.memref_slice %arg6[%mul3A_2, %dma_start3A_87] : memref<1024x896xf32, #tpu.memory_space<hbm>> -> memref<32x896xf32, #tpu.memory_space<hbm>>
      tpu.enqueue_dma source(%arg12 : memref<32x896xf32, #tpu.memory_space<vmem>>) target(%dma_start3A_88 : memref<32x896xf32, #tpu.memory_space<hbm>>) target_semaphore(%run_scoped3A : memref<!tpu.dma_semaphore, #tpu.memory_space<semaphore_mem>>)
      %dma_wait3A = arith.constant 0 : i32
      %dma_wait3A_89 = tpu.memref_slice %arg6[%mul3A_2, %dma_wait3A] : memref<1024x896xf32, #tpu.memory_space<hbm>> -> memref<32x896xf32, #tpu.memory_space<hbm>>
      %dma_wait3A_90 = arith.constant 0 : i32
      %dma_wait3A_91 = tpu.memref_slice %arg6[%mul3A_2, %dma_wait3A_90] : memref<1024x896xf32, #tpu.memory_space<hbm>> -> memref<32x896xf32, #tpu.memory_space<hbm>>
      tpu.wait_dma2 semaphore(%run_scoped3A : memref<!tpu.dma_semaphore, #tpu.memory_space<semaphore_mem>>) src(%arg12 : memref<32x896xf32, #tpu.memory_space<vmem>>) dst(%dma_wait3A_91 : memref<32x896xf32, #tpu.memory_space<hbm>>)
      tpu.yield
    }) : () -> ()
    return
  }
}

module attributes {stable_mosaic.version = 14 : i64} {
  func.func @_combine_body(%arg0: memref<1024x896xf32, #tpu.memory_space<vmem>>, %arg1: memref<1000x768xf32, #tpu.memory_space<vmem>>, %arg2: memref<1000x768xf32, #tpu.memory_space<vmem>>) attributes {dimension_semantics = [], scalar_prefetch = 0 : i64, scratch_operands = 0 : i64, tpu.core_type = #tpu.core_type<tc>} {
    %get3A = arith.constant 0 : index
    %get3A_0 = arith.constant 0 : index
    %get3A_1 = vector.load %arg0[%get3A, %get3A_0] : memref<1024x896xf32, #tpu.memory_space<vmem>>, vector<1000x896xf32>
    %slice3A = vector.extract_strided_slice %get3A_1 {offsets = [0, 768], sizes = [1000, 128], strides = [1, 1]} : vector<1000x896xf32> to vector<1000x128xf32>
    %reduce_sum3A = arith.constant dense<0.000000e+00> : vector<1000xf32>
    %reduce_sum3A_2 = vector.multi_reduction <add>, %slice3A, %reduce_sum3A [1] : vector<1000x128xf32> to vector<1000xf32>
    %broadcast_in_dim3A = vector.shape_cast %reduce_sum3A_2 : vector<1000xf32> to vector<1000x1xf32>
    %slice3A_3 = vector.extract_strided_slice %get3A_1 {offsets = [0, 0], sizes = [1000, 768], strides = [1, 1]} : vector<1000x896xf32> to vector<1000x768xf32>
    %max3A = arith.constant 1.000000e+00 : f32
    %max3A_4 = vector.broadcast %max3A : f32 to vector<1000x1xf32>
    %max3A_5 = arith.maximumf %broadcast_in_dim3A, %max3A_4 : vector<1000x1xf32>
    %div3A = vector.broadcast %max3A_5 : vector<1000x1xf32> to vector<1000x768xf32>
    %div3A_6 = arith.divf %slice3A_3, %div3A : vector<1000x768xf32>
    %get3A_7 = arith.constant 0 : index
    %get3A_8 = arith.constant 0 : index
    %get3A_9 = vector.load %arg1[%get3A_7, %get3A_8] : memref<1000x768xf32, #tpu.memory_space<vmem>>, vector<1000x768xf32>
    %add3A = arith.addf %div3A_6, %get3A_9 : vector<1000x768xf32>
    %swap3A = arith.constant 0 : index
    %swap3A_10 = arith.constant 0 : index
    %swap3A_11 = vector.load %arg2[%swap3A, %swap3A_10] : memref<1000x768xf32, #tpu.memory_space<vmem>>, vector<1000x768xf32>
    tpu.vector_store %arg2[%swap3A, %swap3A_10], %add3A {strides = array<i32>} : memref<1000x768xf32, #tpu.memory_space<vmem>>, vector<1000x768xf32>,
    return
  }
}

</mosaic_0001>

<sc_bundles>
// kernel: kernel.4.cloned.1.call-start
scs
__scs_entry_jumppad:
0x0: {  	(pc) =	sbr.rel $0x88, $3  }
0x1: {  	(tag) =	ssettag $0x0;
	lr =	simm.s32 $0x1  }
0x2: {  	[smem:$0x3F9C] =	sst lr;
	_ =	strace $0xD0000000  }
0x3: {  	_ = 	snop  }
0x4: {  	_ = 	snop  }
0x5: {  	_ = 	snop  }
0x6: {  	_ = 	snop  }
0x7: {  	_ = 	snop  }
__scs_overlays_trampoline_lowered:
0x8: {  	[smem:$0x3FAB] =	sst s0  }
0x9: {  	[smem:$0x3FAC] =	sst s1  }
0xa: {  	[smem:$0x3FAD] =	sst s2  }
0xb: {  	[smem:$0x3FAE] =	sst s3  }
0xc: {  	[smem:$0x3FAF] =	sst s4  }
0xd: {  	[smem:$0x3FB0] =	sst s5  }
0xe: {  	[smem:$0x3FB1] =	sst s6  }
0xf: {  	[smem:$0x3FB2] =	sst s7  }
0x10: {  	[smem:$0x3FB3] =	sst s8  }
0x11: {  	[smem:$0x3FB4] =	sst s9;
	s0 =	simm.s32 @!p0 $0x0  }
0x12: {  	s1 =	sld [smem:$0x3F9A];
	s0 =	simm.s32 @p0 $0x1  }
0x13: {  	[smem:$0x3FB5] =	sst s0;
	s0 =	simm.s32 @!p1 $0x0  }
0x14: {  	s2 =	sld [smem:$0x3F99];
	s0 =	simm.s32 @p1 $0x1  }
0x15: {  	[smem:$0x3FB6] =	sst s0;
	s0 =	simm.s32 @!p2 $0x0  }
0x16: {  	s3 =	sld [smem:$0x3FDB];
	s0 =	simm.s32 @p2 $0x1  }
0x17: {  	s4 =	simm.s32 $0x1BF5;
	[smem:$0x3FB8] =	sst s0  }
0x18: {  	s0 =	sld [smem:$0x3F9B];
	_ =	swait.ge [sflag:s4], $0x0  }
0x19: {  	s7 =	sld [smem:$0x3F9C]  }
0x1a: {  	s8 =	sadd.s32 $0xFFFFE003, lr  }
0x1b: {  	s9 =	sadd.s32 $0xFFFFFEF7, lr;
	s5 =	simm.s32 $0xFFFFFFFF;
	p2 =	slt.u32 s8, $0xFFFFF086  }
0x1c: {  	p1 =	slt.u32 s9, $0xF7A;
	s5 =	simm.s32 @!p2 $0x0  }
0x1d: {  	s5 =	simm.s32 @p1 $0x1;
	p0 =	seq.s32 s7, s2  }
0x1e: {  	s7 =	smul.u32 @!p0 $0xF7A, s2;
	p2 =	seq.s32 @!p0 s5, $0x0  }
0x1f: {  	s9 =	smul.u32 $0xF7A, s1;
	s8 =	simm.s32 @!p0 $0x1BF5;
	p2 =	por !p2, p0  }
0x20: {  	[sflag:s8] =	ssyncset.s32 @!p0 $0xFFFFF086;
	s6 =	sadd.s32 @!p0 s3, s7;
	s7 =	simm.s32 @!p0 $0x108  }
0x21: {  	s3 =	sadd.s32 s3, s9;
	s6 =	sadd.s32 @!p0 $0x88, s6;
	s7 =	simm.s32 @p2 $0x1082  }
0x22: {  	[simem:s7], [sflag:s8] =	dma.local @!p0 [hbm:s6], $0xF7A  }
0x23: {  	s9 =	sor.u32 $0xD0000000, s2;
	s6 =	simm.s32 $0x108;
	_ =	swait.ge @!p0 [sflag:s8], $0x0  }
0x24: {  	s3 =	sadd.s32 $0x88, s3;
	s6 =	simm.s32 @!p1 $0x1082;
	[sflag:s4] =	ssyncset.s32 $0xFFFFF086  }
0x25: {  	[simem:s6], [sflag:s4] =	dma.local [hbm:s3], $0xF7A  }
0x26: {  	[smem:$0x3F9C] =	sst s1;
	(tag) =	ssettag s2;
	_ =	strace s9  }
0x27: {  	s1 =	sld [smem:$0x3FAC]  }
0x28: {  	s2 =	sld [smem:$0x3FAD]  }
0x29: {  	s4 =	sld [smem:$0x3FAF]  }
0x2a: {  	p0 =	seq.s32 s5, $0x0;
	s5 =	sld [smem:$0x3FB0]  }
0x2b: {  	s6 =	sld [smem:$0x3FB1]  }
0x2c: {  	s7 =	sld [smem:$0x3FB2]  }
0x2d: {  	s3 =	simm.s32 $0x108;
	s8 =	sld [smem:$0x3FB3]  }
0x2e: {  	s3 =	simm.s32 @!p0 $0x1082;
	s9 =	sld [smem:$0x3FB4]  }
0x2f: {  	lr =	sadd.s32 s0, s3;
	s0 =	sld [smem:$0x3FAB]  }
0x30: {  	s3 =	sld [smem:$0x3FAE]  }
0x31: {  	[smem:$0x3FB7] =	sst s10  }
0x32: {  	s10 =	sld [smem:$0x3FB5];
	_ =	sdelay $0x3  }
0x33: {  	p0 =	seq.s32 s10, $0x1;
	s10 =	sld [smem:$0x3FB7];
	_ =	sdelay $0x3  }
0x34: {  	[smem:$0x3FB7] =	sst s10  }
0x35: {  	s10 =	sld [smem:$0x3FB6];
	_ =	sdelay $0x3  }
0x36: {  	p1 =	seq.s32 s10, $0x1;
	s10 =	sld [smem:$0x3FB7];
	_ =	sdelay $0x3  }
0x37: {  	[smem:$0x3FB7] =	sst s10  }
0x38: {  	s10 =	sld [smem:$0x3FB8]  }
0x39: {  	_ = 	snop;
	(pc) =	sbr.ind lr, $3  }
0x3a: {  	_ = 	snop  }
0x3b: {  	_ = 	snop  }
0x3c: {  	p2 =	seq.s32 s10, $0x1;
	s10 =	sld [smem:$0x3FB7]  }
0x3d: {  	_ =	shalt  }
0x3e: {  	_ =	shalt  }
0x3f: {  	_ =	shalt  }
0x40: {  	_ =	shalt  }
0x41: {  	_ =	shalt  }
0x42: {  	_ =	shalt  }
0x43: {  	_ =	shalt  }
0x44: {  	_ =	shalt  }
0x45: {  	_ =	shalt  }
0x46: {  	_ =	shalt  }
0x47: {  	_ =	shalt  }
0x48: {  	_ =	shalt  }
0x49: {  	_ =	shalt  }
0x4a: {  	_ =	shalt  }
0x4b: {  	_ =	shalt  }
0x4c: {  	_ =	shalt  }
0x4d: {  	_ =	shalt  }
0x4e: {  	_ =	shalt  }
0x4f: {  	_ =	shalt  }
0x50: {  	_ =	shalt  }
0x51: {  	_ =	shalt  }
0x52: {  	_ =	shalt  }
0x53: {  	_ =	shalt  }
0x54: {  	_ =	shalt  }
0x55: {  	_ =	shalt  }
0x56: {  	_ =	shalt  }
0x57: {  	_ =	shalt  }
0x58: {  	_ =	shalt  }
0x59: {  	_ =	shalt  }
0x5a: {  	_ =	shalt  }
0x5b: {  	_ =	shalt  }
0x5c: {  	_ =	shalt  }
0x5d: {  	_ =	shalt  }
0x5e: {  	_ =	shalt  }
0x5f: {  	_ =	shalt  }
0x60: {  	_ =	shalt  }
0x61: {  	_ =	shalt  }
0x62: {  	_ =	shalt  }
0x63: {  	_ =	shalt  }
0x64: {  	_ =	shalt  }
0x65: {  	_ =	shalt  }
0x66: {  	_ =	shalt  }
0x67: {  	_ =	shalt  }
0x68: {  	_ =	shalt  }
0x69: {  	_ =	shalt  }
0x6a: {  	_ =	shalt  }
0x6b: {  	_ =	shalt  }
0x6c: {  	_ =	shalt  }
0x6d: {  	_ =	shalt  }
0x6e: {  	_ =	shalt  }
0x6f: {  	_ =	shalt  }
0x70: {  	_ =	shalt  }
0x71: {  	_ =	shalt  }
0x72: {  	_ =	shalt  }
0x73: {  	_ =	shalt  }
0x74: {  	_ =	shalt  }
0x75: {  	_ =	shalt  }
0x76: {  	_ =	shalt  }
0x77: {  	_ =	shalt  }
0x78: {  	_ =	shalt  }
0x79: {  	_ =	shalt  }
0x7a: {  	_ =	shalt  }
0x7b: {  	_ =	shalt  }
0x7c: {  	_ =	shalt  }
0x7d: {  	_ =	shalt  }
0x7e: {  	_ =	shalt  }
0x7f: {  	_ =	shalt  }
0x80: {  	_ =	shalt  }
0x81: {  	_ =	shalt  }
0x82: {  	_ =	shalt  }
0x83: {  	_ =	shalt  }
0x84: {  	_ =	shalt  }
0x85: {  	_ =	shalt  }
0x86: {  	_ =	shalt  }
0x87: {  	_ =	shalt  }
.Lfunc_end0:
.L_simem_size_0:
called_computation_lowered:
.L_overlay_start_0:
0x88: {  	s2 =	sld [smem:$0x3FD9]  }
0x89: {  	s3 =	sld [smem:$0x3FFE];
	_ =	sdelay $0x1  }
0x8a: {  	s1 =	srdreg.scid  }
0x8b: {  	s0 =	sand.u32 $0x1, s1  }
0x8c: {  	s17 =	sshll.u32 s0, $0xA;
	s2 =	sadd.s32 s3, s2  }
0x8d: {  	s2 =	sadd.s32 s2, s17  }
0x8e: {  	[smem:$0x3FC3] =	sst s2  }
0x8f: {  	_ = 	snop  }
0x90: {  	s2 =	sld [smem:$0x3FC9]  }
0x91: {  	s18 =	sld [smem:$0x3FC8]  }
0x92: {  	s4 =	sld [smem:$0x3FC6]  }
0x93: {  	s5 =	sld [smem:$0x3FC5];
	(tm) =	ssettm $0x1  }
0x94: {  	s6 =	sld [smem:$0x3FFB];
	_ =	sdelay $0x3  }
0x95: {  	_ =	strace s6  }
0x96: {  	s6 =	sld [smem:$0x3FFC];
	_ =	sdelay $0x3  }
0x97: {  	_ =	strace s6  }
0x98: {  	s6 =	sld [smem:$0x3FFD];
	_ =	sdelay $0x3  }
0x99: {  	_ =	strace s6  }
0x9a: {  	_ =	strace $0x8FFFFFFF  }
0x9b: {  	s19 =	sld [smem:$0x3FDB];
	_ =	sdelay $0x1  }
0x9c: {  	s7 =	simm.s32 $_scs_section_size  }
0x9d: {  	s8 =	simm.s32 $_size__tile_overlayer_lowered;
	s9 =	simm.s32 $_tile_overlayer_lowered  }
0x9e: {  	s22 =	simm.s32 $0x1BFF;
	s21 =	sshll.u32 s9, $0x1;
	s6 =	sadd.s32 s7, s19  }
0x9f: {  	s10 =	simm.s32 $0x0;
	s20 =	sshll.u32 s8, $0x1;
	s8 =	sadd.s32 s21, s6  }
0xa0: {  	[timem:s10], [sflag:s22] =	dma.local [hbm:s8], s20  }
0xa1: {  	_ =	swait.ge [sflag:s22], s20  }
0xa2: {  	s7 =	ssub.s32 $0x0, s20;
	[sflag:s22] =	ssyncset.done $0x0  }
0xa3: {  	[sflag:s22] =	ssyncadd.s32 s7;
	_ =	sdelay $0x1  }
0xa4: {  	s23 =	simm.s32 $0x1B8B  }
0xa5: {  	_ =	swait.ge [sflag:s23], $0x1  }
0xa6: {  	[sflag:s23] =	ssyncset.done $0x0  }
0xa7: {  	s25 =	simm.s32 $0x1B8E;
	s24 =	sld [smem:$0x3FFE];
	[sflag:s23] =	ssyncadd.s32 $0xFFFFFFFF  }
0xa8: {  	s26 =	simm.s32 $execute0_lowered;
	[smem:$0x3FD2] =	sst s25  }
0xa9: {  	s8 =	sshll.u32 s26, $0x1;
	_ =	strace $0x80000046;
	[dreg:$0x1] =	wrdreg $0xFFFFFFFF  }
0xaa: {  	s28 =	simm.s32 $_size_execute0_lowered;
	s6 =	sadd.s32 s6, s8;
	[dreg:$0x0] =	wrdreg $0x0  }
0xab: {  	s8 =	sshll.u32 s28, $0x1;
	[dreg:$0x2] =	wrdreg s6  }
0xac: {  	[dreg:$0x3] =	wrdreg s8  }
0xad: {  	[dreg:$0x4] =	wrdreg $0xC0  }
0xae: {  	_ =	task [dreg:s10], $0x5FFFF  }
0xaf: {  	[dreg:$0x1] =	wrdreg $0xFFFFFFFF  }
0xb0: {  	[dreg:$0x0] =	wrdreg $0x60  }
0xb1: {  	[dreg:$0x2] =	wrdreg s2  }
0xb2: {  	[dreg:$0x3] =	wrdreg s18  }
0xb3: {  	[dreg:$0x4] =	wrdreg s4  }
0xb4: {  	[dreg:$0x5] =	wrdreg s5  }
0xb5: {  	[dreg:$0x6] =	wrdreg s24  }
0xb6: {  	[dreg:$0x7] =	wrdreg $0x9  }
0xb7: {  	_ =	task.clear_ibuf [dreg:s10], $0x8FFFF;
	_ =	strace $0x90000046  }
0xb8: {  	s29 =	simm.s32 $0x9;
	_ =	strace $0x80000048  }
0xb9: {  	_ =	swait.ge [sflag:s29], $0x1  }
0xba: {  	[sflag:s29] =	ssyncadd.s32 $0xFFFFFFFF  }
0xbb: {  	_ =	strace $0x90000048  }
0xbc: {  	_ =	sfence  }
0xbd: {  	s30 =	sld [smem:$0x0];
	_ =	sdelay $0x2  }
0xbe: {  	s31 =	sshll.u32 s1, $0xD;
	s1 =	sshrl.u32 s1, $0x2  }
0xbf: {  	s3 =	sand.u32 $0x4000, s31;
	s1 =	sadd.s32 s1, s30  }
0xc0: {  	s0 =	sor.u32 s3, s0;
	s1 =	sshll.u32 s1, $0x11  }
0xc1: {  	s0 =	sor.u32 s1, s0  }
0xc2: {  	s0 =	sadd.s32 $0x8F2B, s0  }
0xc3: {  	[sflag:s0] =	ssyncadd.remote.s32 $0x1  }
0xc4: {  	_ =	sfence.sel $0xFFFF  }
0xc5: {  	[dreg:$0x0] =	wrdreg $0xFFFFFFFF;
	(pc) =	sbr.abs _section_cstart, $3  }
0xc6: {  	[dreg:$0x1] =	wrdreg $0xFFFFFFFF  }
0xc7: {  	_ =	task.clear_ibuf [dreg:s10], $0x2FFFF;
	_ =	strace $0x9FFFFFFF  }
0xc8: {  	(tm) =	ssettm $0x7FFFFFFF  }
0xc9: {  	_ =	shalt  }
tec
execute0_lowered:
.L_overlay_start_1:
0x0: {  	(tag) =	ssettag $0x1  }
0x1: {  	s1 =	rddreg [dreg:$0x0]  }
0x2: {  	s2 =	rddreg [dreg:$0x1];
	s0 =	srdreg.scid  }
0x3: {  	s4 =	stileid.u32;
	s5 =	rddreg [dreg:$0x4];
	s0 =	sand.u32 $0x1, s0  }
0x4: {  	s7 =	simm.s32 $0x0;
	s4 =	sshll.u32 s4, $0x5;
	s3 =	sshll.u32 s0, $0x9  }
0x5: {  	s12 =	simm.s32 $0x1;
	s14 =	simm.s32 $0x10000;
	s6 =	sor.u32 s4, s3  }
.Ltmp0:
0x6: {  	s15 =	simm.s32 $0x4000;
	s3 =	sshrl.u32 s6, $0x3;
	(pc) =	sbr.rel .LBB2_1-.Ltmp0, $4  }
0x7: {  	s16 =	simm.s32 $0x10680;
	s0 =	ssub.s32 $0x2, s0;
	s3 =	smul.u32 $0x380, s3  }
0x8: {  	s17 =	simm.s32 $0x0;
	[smem:$0x7FF] =	sst s7;
	s31 =	sshrl.u32 s0, $0x1  }
0x9: {  	v0 =	vimm.f32 $0.0e+00;
	vm0 =	vcmask $0x300;
	_ =	strace $0x80000047;
	s0 =	ssub.s32 s0, s31;
	s3 =	sadd.s32 s3, s5  }
0xa: {  	v1 =	vsel vm0, $0x3F800000, v0;
	s8 =	sadd.s32 $0x20, s6;
	s10 =	smax.u32 s0, $0x1;
	s9 =	sadd.s32 $0x800, s3  }
.LBB2_17:
0xb: {  	s17 =	sadd.s32 $0x1, s17  }
0xc: {  	p0 =	sne.s32 s17, s10  }
.Ltmp1:
0xd: {  	_ = 	snop;
	(pc) =	sbr.rel @!p0 .LBB2_18-.Ltmp1, $4  }
0xe: {  	[hbm4b:s9+s7] =	stream.linear.scatter [tilespmem:s16], [sflag:$0x1], $0x7000, $0x38;
	[tilespmem:$0x17680] =	vst v63  }
0xf: {  	_ =	swait.ge [sflag:s12], $0x7000  }
0x10: {  	[sflag:s12] =	ssyncset.done $0x0  }
0x11: {  	[sflag:s12] =	ssyncadd.s32 $0xFFFF9000  }
.LBB2_1:
0x12: {  	s0 =	rddreg [dreg:$0x2];
	s3 =	simm.s32 $0x10080  }
0x13: {  	[tilespmem:s3], [sflag:$0x1] =	stream.linear.gather [hbm4b:s0+s7], $0x300, $0x38;
	[tilespmem:$0x17680] =	vst v63  }
0x14: {  	_ =	swait.ge [sflag:s12], $0x300  }
0x15: {  	[sflag:s12] =	ssyncset.done $0x0  }
0x16: {  	[sflag:s12] =	ssyncadd.s32 $0xFFFFFD00  }
0x17: {  	s31 =	simm.s32 $0x10380;
	s30 =	rddreg [dreg:$0x3]  }
0x18: {  	[tilespmem:s31], [sflag:$0x1] =	stream.linear.gather [hbm4b:s30+s7], $0x300, $0x38;
	[tilespmem:$0x17680] =	vst v63  }
0x19: {  	_ =	swait.ge [sflag:s12], $0x300  }
0x1a: {  	[sflag:s12] =	ssyncset.done $0x0  }
0x1b: {  	[sflag:s12] =	ssyncadd.s32 $0xFFFFFD00  }
0x1c: {  	[tilespmem:s7], [sflag:$0x1] =	stream.linear.gather [hbm4b:s2+s7], $0x4000, $0x38;
	[tilespmem:$0x17680] =	vst v63  }
0x1d: {  	_ =	swait.ge [sflag:s12], $0x4000  }
0x1e: {  	[sflag:s12] =	ssyncset.done $0x0  }
0x1f: {  	s4 =	simm.s32 $0x0;
	[sflag:s12] =	ssyncadd.s32 $0xFFFFC000  }
.LBB2_2:
0x20: {  	s0 =	sshrl.u32 s4, $0x3  }
0x21: {  	s0 =	smul.u32 $0x7000, s0  }
0x22: {  	s3 =	sshll.u32 s4, $0x7  }
0x23: {  	s3 =	sand.u32 $0x380, s3;
	s0 =	sshra.s32 s0, $0x2  }
0x24: {  	s3 =	sor.u32 s3, s0;
	s0 =	simm.s32 $0x0  }
0x25: {  	s3 =	sadd.s32 $0x10680, s3;
	s5 =	sand.u32 $0x1C00, s0  }
0x26: {  	s18 =	sand.u32 $0x70, s0;
	s19 =	sadd.s32 s5, s3  }
0x27: {  	s5 =	simm.s32 $0x10;
	s18 =	sadd.s32 s18, s19  }
.LBB2_3:
0x28: {  	p0 =	sne.s32 s5, $0x370  }
0x29: {  	[tilespmem:s18+$0x0] =	vst v0;
	s0 =	sadd.s32 $0x80, s0;
	s18 =	smov.u32 s5;
	s5 =	sadd.s32 $0x10, s5  }
.Ltmp2:
0x2a: {  	(pc) =	sbr.rel @p0 .LBB2_3-.Ltmp2, $4  }
0x2b: {  	_ = 	snop  }
0x2c: {  	s19 =	sand.u32 $0x1C00, s0  }
0x2d: {  	s18 =	sand.u32 $0x70, s18;
	s19 =	sadd.s32 s19, s3  }
0x2e: {  	s18 =	sadd.s32 s18, s19  }
0x2f: {  	s4 =	sadd.s32 $0x1, s4  }
0x30: {  	p0 =	sne.s32 s4, $0x20  }
.Ltmp3:
0x31: {  	_ = 	snop;
	(pc) =	sbr.rel @p0 .LBB2_2-.Ltmp3, $2  }
0x32: {  	_ =	sdelay $0x2  }
0x33: {  	[tilespmem:s18+$0x0] =	vst v0;
	s18 =	simm.s32 $0x0;
	s20 =	simm.s32 $0x4000;
	s3 =	simm.s32 $0xE  }
0x34: {  	s0 =	sadd.s32 s18, s20  }
0x35: {  	s21 =	sadd.s32 $0xFFFFFFFF, s3;
	s19 =	simm.s32 $0x0;
	s23 =	simm.s32 $0x4000  }
.LBB2_6:
0x36: {  	s22 =	smov.u32 s23  }
0x37: {  	p0 =	sne.s32 s21, $0x1;
	s3 =	sand.u32 $0x1, s0  }
0x38: {  	p1 =	slt.s32 s0, $0x1;
	p2 =	seq.s32 s3, $0x1  }
0x39: {  	s3 =	sshrl.u32 s0, $0x1F;
	p1 =	por !p1, !p2  }
0x3a: {  	s0 =	sadd.s32 s3, s0;
	s3 =	simm.s32 $0x1;
	p1 =	por !p1, !p1  }
0x3b: {  	s0 =	sshra.s32 s0, $0x1;
	s3 =	simm.s32 @!p1 $0x0  }
0x3c: {  	s23 =	ssub.s32 s0, s3  }
0x3d: {  	v2 =	vmov s23;
	_ =	sdelay $0x4  }
0x3e: {  	v2 =	vld.idx.msk [tilespmem:v2+s18+$0x0], $0xffff;
	_ =	sdelay $0x5  }
0x3f: {  	v2 =	vxor.u32 $0x80000000, v2  }
0x40: {  	(xrf0) =	vmax.scan.msk.u32 $0xffff, v2;
	_ =	sdelay $0x5  }
0x41: {  	v2, _, _ =	vpop (xrf0)  }
0x42: {  	(v2sf) =	vpush v2, $0xF;
	_ =	sdelay $0xe  }
.Ltmp4:
0x43: {  	s0 =	spop (v2sf);
	(pc) =	sbr.rel @p0 .LBB2_6-.Ltmp4, $4  }
0x44: {  	s0 =	sxor.u32 $0x80000000, s0  }
0x45: {  	p1 =	slt.s32 s0, s6;
	s0 =	sadd.s32 $0x1, s23  }
0x46: {  	s19 =	smov.u32 @p1 s0;
	s23 =	smov.u32 @p1 s22  }
0x47: {  	s21 =	sadd.s32 $0xFFFFFFFF, s21;
	s0 =	sadd.s32 s19, s23  }
0x48: {  	s3 =	sand.u32 $0x1, s0  }
0x49: {  	p0 =	slt.s32 s0, $0x1;
	p1 =	seq.s32 s3, $0x1  }
0x4a: {  	s30 =	sshrl.u32 s0, $0x1F;
	p0 =	por !p0, !p1  }
0x4b: {  	s0 =	sadd.s32 s30, s0;
	s3 =	simm.s32 $0x1;
	p0 =	por !p0, !p0  }
0x4c: {  	s0 =	sshra.s32 s0, $0x1;
	s3 =	simm.s32 @!p0 $0x0  }
0x4d: {  	s0 =	ssub.s32 s0, s3  }
0x4e: {  	v2 =	vmov s0;
	_ =	sdelay $0x4  }
0x4f: {  	v2 =	vld.idx.msk [tilespmem:v2+s18+$0x0], $0xffff;
	_ =	sdelay $0x4  }
0x50: {  	v2 =	vxor.u32 $0x80000000, v2  }
0x51: {  	(xrf0) =	vmax.scan.msk.u32 $0xffff, v2;
	_ =	sdelay $0x5  }
0x52: {  	v2, _, _ =	vpop (xrf0)  }
0x53: {  	(v2sf) =	vpush v2, $0xF;
	_ =	sdelay $0xe  }
0x54: {  	s31 =	spop (v2sf)  }
0x55: {  	s3 =	sxor.u32 $0x80000000, s31  }
0x56: {  	s0 =	sadd.s32 $0x1, s0;
	p0 =	slt.s32 s3, s6  }
0x57: {  	s21 =	simm.s32 $0xD;
	s19 =	smov.u32 @p0 s0;
	s0 =	simm.s32 $0x4000  }
.LBB2_8:
0x58: {  	s22 =	smov.u32 s20  }
0x59: {  	p0 =	sne.s32 s21, $0x1;
	s3 =	sand.u32 $0x1, s0  }
0x5a: {  	p1 =	slt.s32 s0, $0x1;
	p2 =	seq.s32 s3, $0x1  }
0x5b: {  	s3 =	sshrl.u32 s0, $0x1F;
	p1 =	por !p1, !p2  }
0x5c: {  	s0 =	sadd.s32 s3, s0;
	s3 =	simm.s32 $0x1;
	p1 =	por !p1, !p1  }
0x5d: {  	s0 =	sshra.s32 s0, $0x1;
	s3 =	simm.s32 @!p1 $0x0  }
0x5e: {  	s20 =	ssub.s32 s0, s3  }
0x5f: {  	v2 =	vmov s20;
	_ =	sdelay $0x4  }
0x60: {  	v2 =	vld.idx.msk [tilespmem:v2+s7+$0x0], $0xffff;
	_ =	sdelay $0x5  }
0x61: {  	v2 =	vxor.u32 $0x80000000, v2  }
0x62: {  	(xrf0) =	vmax.scan.msk.u32 $0xffff, v2;
	_ =	sdelay $0x5  }
0x63: {  	v2, _, _ =	vpop (xrf0)  }
0x64: {  	(v2sf) =	vpush v2, $0xF;
	_ =	sdelay $0xe  }
.Ltmp5:
0x65: {  	s0 =	spop (v2sf);
	(pc) =	sbr.rel @p0 .LBB2_8-.Ltmp5, $4  }
0x66: {  	s0 =	sxor.u32 $0x80000000, s0  }
0x67: {  	p1 =	slt.s32 s0, s8;
	s0 =	sadd.s32 $0x1, s20  }
0x68: {  	s18 =	smov.u32 @p1 s0;
	s20 =	smov.u32 @p1 s22  }
0x69: {  	s21 =	sadd.s32 $0xFFFFFFFF, s21;
	s0 =	sadd.s32 s18, s20  }
0x6a: {  	s3 =	sand.u32 $0x1, s0  }
0x6b: {  	p0 =	slt.s32 s0, $0x1;
	p1 =	seq.s32 s3, $0x1  }
0x6c: {  	s24 =	sshrl.u32 s0, $0x1F;
	p0 =	por !p0, !p1  }
0x6d: {  	s0 =	sadd.s32 s24, s0;
	s3 =	simm.s32 $0x1;
	p0 =	por !p0, !p0  }
0x6e: {  	s0 =	sshra.s32 s0, $0x1;
	s3 =	simm.s32 @!p0 $0x0  }
0x6f: {  	s0 =	ssub.s32 s0, s3  }
0x70: {  	v2 =	vmov s0;
	_ =	sdelay $0x4  }
0x71: {  	v2 =	vld.idx.msk [tilespmem:v2+s7+$0x0], $0xffff;
	_ =	sdelay $0x4  }
0x72: {  	v2 =	vxor.u32 $0x80000000, v2  }
0x73: {  	(xrf0) =	vmax.scan.msk.u32 $0xffff, v2;
	_ =	sdelay $0x5  }
0x74: {  	v2, _, _ =	vpop (xrf0)  }
0x75: {  	(v2sf) =	vpush v2, $0xF;
	_ =	sdelay $0xe  }
0x76: {  	s25 =	spop (v2sf)  }
0x77: {  	s26 =	sshra.s32 s19, $0x1F;
	s29 =	sand.u32 $0x3F, s19;
	s3 =	sxor.u32 $0x80000000, s25  }
0x78: {  	p4 =	slt.s32 s19, $0x1;
	s0 =	sadd.s32 $0x1, s0;
	p0 =	slt.s32 s3, s8  }
0x79: {  	s5 =	simm.s32 $0x1;
	s28 =	sshrl.u32 s26, $0x1A;
	s18 =	smov.u32 @p0 s0  }
0x7a: {  	p5 =	sne.s32 s29, $0x0;
	s0 =	sadd.s32 s28, s19;
	s4 =	sadd.s32 $0x3F, s18  }
0x7b: {  	p0 =	por !p4, !p5;
	p6 =	slt.s32 s18, $0xFFFFFFC2;
	s30 =	sand.u32 $0x3F, s4  }
0x7c: {  	s0 =	sshra.s32 s0, $0x6;
	s31 =	sshra.s32 s4, $0x1F;
	p2 =	sne.s32 s30, $0x0  }
0x7d: {  	p0 =	por !p0, !p0;
	s3 =	sshrl.u32 s31, $0x1A;
	p1 =	por !p6, !p2  }
0x7e: {  	s3 =	sadd.s32 s3, s4;
	s4 =	simm.s32 $0x1;
	p1 =	por !p1, !p1  }
0x7f: {  	s5 =	simm.s32 @!p0 $0x0;
	s3 =	sshra.s32 s3, $0x6;
	s4 =	simm.s32 @!p1 $0x0  }
0x80: {  	s20 =	ssub.s32 s0, s5;
	s21 =	ssub.s32 s3, s4  }
0x81: {  	p0 =	sge.s32 s20, s21  }
.Ltmp6:
0x82: {  	_ = 	snop;
	(pc) =	sbr.rel @p0 .LBB2_17-.Ltmp6, $4  }
.Ltmp7:
0x83: {  	_ = 	snop;
	(pc) =	sbr.rel @!p0 .LBB2_10-.Ltmp7, $4  }
0x84: {  	_ = 	snop  }
0x85: {  	_ = 	snop  }
0x86: {  	_ = 	snop  }
0x87: {  	_ = 	snop  }
.LBB2_16:
0x88: {  	s20 =	sadd.s32 $0x1, s20  }
0x89: {  	p0 =	sne.s32 s20, s21  }
.Ltmp8:
0x8a: {  	_ = 	snop;
	(pc) =	sbr.rel @!p0 .LBB2_17-.Ltmp8, $1  }
0x8b: {  	_ =	sdelay $0x3  }
.LBB2_10:
0x8c: {  	s0 =	sshll.u32 s20, $0x6  }
0x8d: {  	s3 =	sshrl.u32 s0, $0x3  }
0x8e: {  	s22 =	ssub.s32 s18, s0;
	s23 =	ssub.s32 s19, s0;
	s4 =	sadd.s32 s2, s3  }
0x8f: {  	s3 =	smul.u32 $0x300, s3;
	p0 =	slt.s32 s22, $0x40;
	p1 =	sgt.s32 s23, $0x0  }
0x90: {  	[tilespmem:s14], [sflag:$0x1] =	stream.linear.gather [hbm4b:s4+s7], $0x40, $0x38;
	[tilespmem:$0x17680] =	vst v63  }
0x91: {  	s22 =	simm.s32 @!p0 $0x40;
	s23 =	simm.s32 @!p1 $0x0;
	_ =	swait.ge [sflag:s12], $0x40  }
0x92: {  	p0 =	sge.s32 s23, s22;
	[sflag:s12] =	ssyncset.done $0x0  }
.Ltmp9:
0x93: {  	s3 =	sadd.s32 s1, s3;
	[sflag:s12] =	ssyncadd.s32 $0xFFFFFFC0;
	(pc) =	sbr.rel @p0 .LBB2_16-.Ltmp9, $4  }
0x94: {  	[tilespmem:s15], [sflag:$0x1] =	stream.linear.gather [hbm4b:s3+s7], $0xC000, $0x38;
	[tilespmem:$0x17680] =	vst v63  }
0x95: {  	_ =	swait.ge [sflag:s12], $0xC000  }
0x96: {  	[sflag:s12] =	ssyncset.done $0x0  }
0x97: {  	[sflag:s12] =	ssyncadd.s32 $0xFFFF4000  }
.LBB2_11:
0x98: {  	s0 =	sshrl.u32 s23, $0x3  }
0x99: {  	s0 =	smul.u32 $0x6000, s0  }
0x9a: {  	s3 =	sshll.u32 s23, $0x7  }
0x9b: {  	s3 =	sand.u32 $0x380, s3;
	s0 =	sshra.s32 s0, $0x2  }
0x9c: {  	v2 =	vmov s23;
	s30 =	simm.s32 $0x0;
	s0 =	sor.u32 s3, s0  }
0x9d: {  	s31 =	sand.u32 $0x1C00, s30;
	s24 =	sadd.s32 $0x4000, s0  }
0x9e: {  	s3 =	sand.u32 $0x70, s30;
	s0 =	sadd.s32 s31, s24  }
0x9f: {  	s3 =	sadd.s32 s3, s0  }
0xa0: {  	v5 =	vld [tilespmem:s3+$0x0]  }
0xa1: {  	v3 =	vimm.f32 $0.0e+00;
	v4 =	vimm.f32 $0.0e+00;
	v2 =	vld.idx.msk [tilespmem:v2+s14+$0x0], $0xffff;
	s0 =	simm.s32 $0x10;
	s3 =	simm.s32 $0x80  }
.LBB2_12:
0xa2: {  	s4 =	sand.u32 $0x1C00, s3  }
0xa3: {  	p0 =	sne.s32 s0, $0x2F0;
	s5 =	smov.u32 s0;
	s0 =	sadd.s32 $0x10, s0  }
.Ltmp10:
0xa4: {  	s5 =	sand.u32 $0x70, s5;
	s4 =	sadd.s32 s4, s24;
	(pc) =	sbr.rel @p0 .LBB2_12-.Ltmp10, $4  }
0xa5: {  	s4 =	sadd.s32 s5, s4;
	v3 =	vadd.f32 v5, v3;
	v6 =	vmul.f32 v5, v5  }
0xa6: {  	v5 =	vld [tilespmem:s4+$0x0]  }
0xa7: {  	v4 =	vadd.f32 v6, v4  }
0xa8: {  	s3 =	sadd.s32 $0x80, s3  }
0xa9: {  	_ =	sdelay $0x1  }
0xaa: {  	v6 =	vmul.f32 v5, v5  }
0xab: {  	v3 =	vadd.f32 v5, v3  }
0xac: {  	v4 =	vadd.f32 v6, v4  }
0xad: {  	(xrf2) =	vadd.scan.msk.f32 $0xffff, v3  }
0xae: {  	(xrf2) =	vadd.scan.msk.f32 $0xffff, v4  }
0xaf: {  	v2 =	vxor.u32 $0x80000000, v2  }
0xb0: {  	(xrf0) =	vmax.scan.msk.u32 $0xffff, v2;
	_ =	sdelay $0x5  }
0xb1: {  	v2, _, _ =	vpop (xrf0)  }
0xb2: {  	(v2sf) =	vpush v2, $0xF;
	v3, _, _ =	vpop (xrf2)  }
0xb3: {  	(v2sf) =	vpush v3, $0xF;
	v2, _, _ =	vpop (xrf2)  }
0xb4: {  	(v2sf) =	vpush v2, $0xF;
	_ =	sdelay $0xc  }
0xb5: {  	s0 =	spop (v2sf)  }
0xb6: {  	s3 =	spop (v2sf)  }
0xb7: {  	s3 =	smul.f32 $1.302083370e-03, s3;
	s4 =	spop (v2sf)  }
0xb8: {  	s4 =	smul.f32 $1.302083370e-03, s4  }
0xb9: {  	s5 =	smul.f32 s3, s3;
	_ =	sdelay $0x1  }
0xba: {  	s4 =	ssub.f32 s4, s5;
	_ =	sdelay $0x1  }
0xbb: {  	s4 =	sadd.f32 $9.999999740e-06, s4;
	_ =	sdelay $0x1  }
0xbc: {  	v2 =	vmov s4  }
0xbd: {  	v3 =	vshra.s32 v2, $0x1;
	v2 =	vmul.f32 $5.000000000e-01, v2  }
0xbe: {  	v3 =	vsub.s32 $0x5F3759DF, v3  }
0xbf: {  	v4 =	vmul.f32 v3, v2;
	_ =	sdelay $0x1  }
0xc0: {  	v4 =	vmul.f32 v3, v4;
	_ =	sdelay $0x1  }
0xc1: {  	v4 =	vsub.f32 $1.500000000e+00, v4;
	_ =	sdelay $0x1  }
0xc2: {  	v3 =	vmul.f32 v3, v4;
	_ =	sdelay $0x1  }
0xc3: {  	v4 =	vmul.f32 v3, v2;
	_ =	sdelay $0x1  }
0xc4: {  	v4 =	vmul.f32 v4, v3;
	_ =	sdelay $0x1  }
0xc5: {  	v4 =	vsub.f32 $1.500000000e+00, v4;
	_ =	sdelay $0x1  }
0xc6: {  	v3 =	vmul.f32 v4, v3;
	_ =	sdelay $0x1  }
0xc7: {  	v4 =	vmul.f32 v3, v2;
	_ =	sdelay $0x1  }
0xc8: {  	v4 =	vmul.f32 v4, v3;
	_ =	sdelay $0x1  }
0xc9: {  	v4 =	vsub.f32 $1.500000000e+00, v4  }
0xca: {  	s11 =	simm.s32 $0x0  }
0xcb: {  	s13 =	sand.u32 $0x1C00, s11;
	v4 =	vmul.f32 v4, v3  }
0xcc: {  	s25 =	sadd.s32 s13, s24;
	s4 =	sand.u32 $0x70, s11  }
0xcd: {  	s26 =	ssub.s32 s0, s6;
	s25 =	sadd.s32 s4, s25;
	v2 =	vmul.f32 v4, v2  }
0xce: {  	s26 =	sshrl.u32 s26, $0x3;
	v5 =	vld [tilespmem:s25+$0x0]  }
0xcf: {  	s26 =	smul.u32 $0x7000, s26;
	v2 =	vmul.f32 v2, v4  }
0xd0: {  	s0 =	sshll.u32 s0, $0x7  }
0xd1: {  	s29 =	simm.s32 $0x10080;
	s26 =	sshra.s32 s26, $0x2;
	s25 =	sand.u32 $0x380, s0;
	v2 =	vsub.f32 $1.500000000e+00, v2  }
0xd2: {  	v6 =	vld [tilespmem:s29+$0x0];
	s0 =	sor.u32 s25, s26;
	v3 =	vmov s3  }
0xd3: {  	s30 =	simm.s32 $0x10380;
	s28 =	sadd.s32 $0x10680, s0;
	v2 =	vmul.f32 v2, v4;
	v4 =	vsub.f32 v5, v3  }
0xd4: {  	s0 =	sadd.s32 s13, s28;
	v5 =	vld [tilespmem:s30+$0x0]  }
0xd5: {  	s5 =	sadd.s32 s4, s0;
	v4 =	vmul.f32 v4, v2  }
0xd6: {  	v7 =	vld [tilespmem:s5+$0x0]  }
0xd7: {  	v4 =	vmul.f32 v4, v6;
	_ =	sdelay $0x1  }
0xd8: {  	v4 =	vadd.f32 v4, v5  }
0xd9: {  	s31 =	simm.s32 $0x80  }
0xda: {  	s0 =	simm.s32 $0x10;
	s4 =	simm.s32 $0x20;
	s3 =	sand.u32 $0x1C00, s31;
	v4 =	vadd.f32 v4, v7  }
.LBB2_14:
0xdb: {  	p0 =	sne.s32 s4, $0x2F0;
	s11 =	sand.u32 $0x70, s0;
	s0 =	sadd.s32 s3, s24  }
0xdc: {  	s13 =	sadd.s32 s11, s0;
	[tilespmem:s5+$0x0] =	vst v4;
	s0 =	smov.u32 s4  }
0xdd: {  	v4 =	vld [tilespmem:s13+$0x0];
	_ =	sdelay $0x2  }
0xde: {  	s29 =	sadd.s32 $0x10, s29  }
0xdf: {  	v5 =	vld [tilespmem:s29+$0x0]  }
0xe0: {  	s30 =	sadd.s32 $0x10, s30;
	v4 =	vsub.f32 v4, v3  }
0xe1: {  	s3 =	sadd.s32 s3, s28;
	v6 =	vld [tilespmem:s30+$0x0]  }
0xe2: {  	s5 =	sadd.s32 s11, s3;
	v4 =	vmul.f32 v4, v2  }
0xe3: {  	v7 =	vld [tilespmem:s5+$0x0]  }
.Ltmp11:
0xe4: {  	v4 =	vmul.f32 v4, v5;
	(pc) =	sbr.rel @p0 .LBB2_14-.Ltmp11, $4  }
0xe5: {  	_ = 	snop  }
0xe6: {  	v4 =	vadd.f32 v4, v6  }
0xe7: {  	s31 =	sadd.s32 $0x80, s31  }
0xe8: {  	s3 =	sand.u32 $0x1C00, s31;
	s4 =	sadd.s32 $0x10, s4;
	v4 =	vadd.f32 v4, v7  }
0xe9: {  	s0 =	sand.u32 $0x70, s0;
	s4 =	sadd.s32 s3, s24  }
0xea: {  	s4 =	sadd.s32 s0, s4;
	[tilespmem:s5+$0x0] =	vst v4  }
0xeb: {  	v4 =	vld [tilespmem:s4+$0x0];
	_ =	sdelay $0x2  }
0xec: {  	s24 =	sadd.s32 $0x10, s29  }
0xed: {  	v5 =	vld [tilespmem:s24+$0x0]  }
0xee: {  	s29 =	sadd.s32 $0x10, s30;
	v3 =	vsub.f32 v4, v3  }
0xef: {  	s30 =	sadd.s32 s3, s28;
	v63 =	vld [tilespmem:s29+$0x0]  }
0xf0: {  	s0 =	sadd.s32 s0, s30;
	v2 =	vmul.f32 v3, v2  }
0xf1: {  	v3 =	vld [tilespmem:s0+$0x0]  }
0xf2: {  	v2 =	vmul.f32 v2, v5;
	_ =	sdelay $0x1  }
0xf3: {  	v2 =	vadd.f32 v2, v63;
	_ =	sdelay $0x1  }
0xf4: {  	v2 =	vadd.f32 v2, v3;
	_ =	sdelay $0x1  }
0xf5: {  	s31 =	sadd.s32 s25, s26;
	[tilespmem:s0+$0x0] =	vst v2  }
0xf6: {  	v2 =	vld [tilespmem:s31+$0x11E80]  }
0xf7: {  	s23 =	sadd.s32 $0x1, s23  }
0xf8: {  	p0 =	slt.s32 s23, s22  }
.Ltmp12:
0xf9: {  	_ = 	snop;
	(pc) =	sbr.rel @p0 .LBB2_11-.Ltmp12, $4  }
.Ltmp13:
0xfa: {  	_ = 	snop;
	(pc) =	sbr.rel @!p0 .LBB2_16-.Ltmp13, $4  }
0xfb: {  	v2 =	vadd.f32 v1, v2  }
0xfc: {  	_ = 	snop  }
0xfd: {  	[tilespmem:s31+$0x11E80] =	vst v2  }
0xfe: {  	_ = 	snop  }
.LBB2_18:
0xff: {  	_ =	sfence.sel $0x180000  }
0x100: {  	[bflag:$0x0] =	sbarrier.arrive $0xFFFF  }
0x101: {  	_ =	strace $0x90000047  }
0x102: {  	s0 =	stileid.u32;
	[bflag:$0x2] =	sbarrier.arrive $0xFFFF  }
0x103: {  	p0 =	sne.s32 s0, $0x0;
	s0 =	rddreg [dreg:$0x5]  }
0x104: {  	s0 =	sadd.s32 @!p0 $0x100000, s0  }
0x105: {  	[sflag:s0] =	ssyncadd.tile.s32 @!p0 $0x1;
	_ =	shalt  }
.Lfunc_end2:
_tile_overlayer_lowered:
.L_overlay_start_2:
0x106: {  	(tag) =	ssettag $0x2  }
0x107: {  	s0 =	rddreg [dreg:$0x0];
	s2 =	stileid.u32  }
0x108: {  	s1 =	rddreg [dreg:$0x1];
	p0 =	sne.s32 s2, $0x0  }
0x109: {  	s3 =	rddreg [dreg:$0x2];
	[bflag:$0x3] =	sbarrier.arrive $0xFFFF;
	s2 =	simm.s32 @!p0 $0x1C01  }
0x10a: {  	[timem:s3], [sflag:s2] =	dma.local @!p0 [hbm:s0], s1  }
0x10b: {  	s0 =	simm.s32 @!p0 $0x1  }
0x10c: {  	_ =	swait.ge @!p0 [sflag:s0], s1  }
0x10d: {  	s1 =	ssub.s32 @!p0 $0x0, s1;
	[sflag:s0] =	ssyncset.done @!p0 $0x0  }
0x10e: {  	[sflag:s0] =	ssyncadd.s32 @!p0 s1  }
0x10f: {  	[bflag:$0x3] =	sbarrier.arrive $0xFFFF  }
0x110: {  	_ =	shalt  }

</sc_bundles>
